<compile_context>
chip_gen: v7x
topology: tpu7x:2x2x1
jax: 0.10.2.dev20260603
libtpu: 0.0.44.dev20260713+nightly
codegen_flags: <defaults>
</compile_context>

<pallas_src>
import dataclasses
import functools

import jax
import jax.numpy as jnp
from jax import lax
from jax.experimental import pallas as pl
from jax.experimental.pallas import tpu as pltpu
from jax.experimental.pallas import tpu_sc as plsc

BATCH = 16384
CH = 4096
NC = 2
NS = 16
NW = NC * NS
ROWS_PER_W = BATCH // NW
CHUNK = 4
NCHUNKS = ROWS_PER_W // CHUNK
LANES = 16


def _shuffle_sc(inputs, perm32):
    mesh = plsc.VectorSubcoreMesh(core_axis_name="c", subcore_axis_name="s")
    cp = pltpu.CompilerParams()
    if "needs_layout_passes" in pltpu.CompilerParams.__dataclass_fields__:
        cp = dataclasses.replace(cp, needs_layout_passes=False)

    @functools.partial(
        pl.kernel,
        mesh=mesh,
        compiler_params=cp,
        out_type=jax.ShapeDtypeStruct((BATCH, CH), jnp.float32),
        scratch_types=[
            pltpu.VMEM((CH // 2,), jnp.int32),
            pltpu.VMEM((CHUNK, CH), jnp.float32),
            pltpu.VMEM((CHUNK, CH), jnp.float32),
            pltpu.VMEM((CHUNK, CH), jnp.float32),
            pltpu.VMEM((CHUNK, CH), jnp.float32),
            pltpu.SemaphoreType.DMA,
            pltpu.SemaphoreType.DMA,
            pltpu.SemaphoreType.DMA,
            pltpu.SemaphoreType.DMA,
        ],
    )
    def k(in_hbm, perm_hbm, out_hbm, perm_v, in_a, in_b, out_a, out_b,
          isem_a, isem_b, osem_a, osem_b):
        wid = lax.axis_index("s") * NC + lax.axis_index("c")
        base_row = wid * ROWS_PER_W
        pltpu.sync_copy(perm_hbm, perm_v)

        bufs = ((in_a, isem_a, out_a, osem_a), (in_b, isem_b, out_b, osem_b))

        def in_copy(c, buf, sem):
            return pltpu.make_async_copy(
                in_hbm.at[pl.ds(base_row + c * CHUNK, CHUNK)], buf, sem)

        def out_copy(c, buf, sem):
            return pltpu.make_async_copy(
                buf, out_hbm.at[pl.ds(base_row + c * CHUNK, CHUNK)], sem)

        in_copy(0, in_a, isem_a).start()
        in_copy(1, in_b, isem_b).start()

        @pl.loop(0, NCHUNKS // 2)
        def _(g):
            for b in range(2):
                in_v, isem, out_v, osem = bufs[b]
                c = g * 2 + b
                in_copy(c, in_v, isem).wait()

                @pl.when(g > 0)
                def _():
                    out_copy(c - 2, out_v, osem).wait()

                @plsc.parallel_loop(0, CH // 2, LANES, unroll=4)
                def _(jj):
                    pv = perm_v[pl.ds(jj, LANES)]
                    lo = jnp.bitwise_and(pv, jnp.int32(0xFFFF))
                    hi = jax.lax.shift_right_logical(pv, jnp.int32(16))
                    for r in range(CHUNK):
                        rsplat = jnp.full((LANES,), r, jnp.int32)
                        g_lo = plsc.load_gather(in_v, [rsplat, lo])
                        out_v[r, pl.ds(2 * jj, LANES)] = g_lo
                        g_hi = plsc.load_gather(in_v, [rsplat, hi])
                        out_v[r, pl.ds(2 * jj + LANES, LANES)] = g_hi

                out_copy(c, out_v, osem).start()

                @pl.when(c + 2 < NCHUNKS)
                def _():
                    in_copy(c + 2, in_v, isem).start()

        out_copy(NCHUNKS - 2, out_a, osem_a).wait()
        out_copy(NCHUNKS - 1, out_b, osem_b).wait()

    return k(inputs, perm32)


def kernel(inputs, perm):
    p = perm.astype(jnp.int32).reshape(CH // 32, 2, LANES)
    packed = (p[:, 0, :] | (p[:, 1, :] << 16)).reshape(-1)
    shuffled = _shuffle_sc(inputs, packed)
    logdet = jnp.zeros((BATCH,), dtype=inputs.dtype)
    return (shuffled, logdet)

# --- scband reference (transcript-rebuilt; emitter-appended) ---
"""Pipeline reference for scband-shuffle-7971459301973 (READ-ONLY COPY).

The authoritative reference and input builder live on the scoring server;
editing this copy changes nothing except your own understanding.
"""

import jax, jax.numpy as jnp
import numpy as np

CHANNELS = 4096
BATCH = 16384


def setup_inputs(seed: int = 0) -> dict:
    key = jax.random.key(seed)
    k_in, k_perm = jax.random.split(key)
    inputs = jax.random.normal(k_in, (BATCH, CHANNELS), dtype=jnp.float32)
    # Mirrors torch.randperm(channels) captured at module construction time.
    perm = jax.random.permutation(k_perm, CHANNELS).astype(jnp.int64)
    return {"inputs": inputs, "perm": perm}


def reference(inputs, perm):
    # Faithful translation of Shuffle.forward with inverse=False:
    #   return (inputs[:, self.perm], torch.zeros(batch_size))
    batch_size = inputs.shape[0]
    shuffled = jnp.take(inputs, perm, axis=1)
    logdet = jnp.zeros((batch_size,), dtype=inputs.dtype)
    return (shuffled, logdet)

if __name__ == "__main__":
    import jax
    _d = setup_inputs()
    print(jax.jit(kernel)(*tuple(_d.values())))

</pallas_src>

<mosaic_0001>
#map = affine_map<(d0, d1) -> (0, 0)>
#map1 = affine_map<(d0, d1) -> (0)>
module attributes {stable_mosaic.version = 14 : i64} {
  func.func @k(%arg0: i32, %arg1: i32, %arg2: memref<16384x4096xf32, #tpu.memory_space<hbm>>, %arg3: memref<2048xi32, #tpu.memory_space<hbm>>, %arg4: memref<16384x4096xf32, #tpu.memory_space<hbm>>, %arg5: memref<2048xi32, #tpu.memory_space<vmem>>, %arg6: memref<4x4096xf32, #tpu.memory_space<vmem>>, %arg7: memref<4x4096xf32, #tpu.memory_space<vmem>>, %arg8: memref<4x4096xf32, #tpu.memory_space<vmem>>, %arg9: memref<4x4096xf32, #tpu.memory_space<vmem>>, %arg10: memref<!tpu.dma_semaphore, #tpu.memory_space<semaphore_mem>>, %arg11: memref<!tpu.dma_semaphore, #tpu.memory_space<semaphore_mem>>, %arg12: memref<!tpu.dma_semaphore, #tpu.memory_space<semaphore_mem>>, %arg13: memref<!tpu.dma_semaphore, #tpu.memory_space<semaphore_mem>>) attributes {dimension_semantics = [#tpu.dimension_semantics<core_parallel>, #tpu.dimension_semantics<subcore_parallel>], iteration_bounds = array<i64: 2, 16>, scalar_prefetch = 0 : i64, scratch_operands = 9 : i64, tpu.core_type = #tpu.core_type<sc_vector_subcore>, window_params = [{transform_indices = #map}, {transform_indices = #map1}, {transform_indices = #map}]} {
    %mul3A = arith.constant 2 : i32
    %mul3A_0 = arith.muli %arg1, %mul3A : i32
    %add3A = arith.addi %mul3A_0, %arg0 : i32
    %mul3A_1 = arith.constant 512 : i32
    %mul3A_2 = arith.muli %add3A, %mul3A_1 : i32
    "tpu.region"() ({
      %run_scoped3A = tpu.sem_alloc : memref<!tpu.dma_semaphore, #tpu.memory_space<semaphore_mem>>
      tpu.enqueue_dma source(%arg3 : memref<2048xi32, #tpu.memory_space<hbm>>) target(%arg5 : memref<2048xi32, #tpu.memory_space<vmem>>) target_semaphore(%run_scoped3A : memref<!tpu.dma_semaphore, #tpu.memory_space<semaphore_mem>>)
      tpu.wait_dma2 semaphore(%run_scoped3A : memref<!tpu.dma_semaphore, #tpu.memory_space<semaphore_mem>>) src(%arg3 : memref<2048xi32, #tpu.memory_space<hbm>>) dst(%arg5 : memref<2048xi32, #tpu.memory_space<vmem>>)
      tpu.yield
    }) : () -> ()
    %add3A_3 = arith.constant 0 : i32
    %add3A_4 = arith.addi %mul3A_2, %add3A_3 : i32
    %dma_start3A = arith.constant 0 : i32
    %dma_start3A_5 = tpu.memref_slice %arg2[%add3A_4, %dma_start3A] : memref<16384x4096xf32, #tpu.memory_space<hbm>> -> memref<4x4096xf32, #tpu.memory_space<hbm>>
    %dma_start3A_6 = arith.constant 0 : i32
    %dma_start3A_7 = tpu.memref_slice %arg2[%add3A_4, %dma_start3A_6] : memref<16384x4096xf32, #tpu.memory_space<hbm>> -> memref<4x4096xf32, #tpu.memory_space<hbm>>
    tpu.enqueue_dma source(%dma_start3A_7 : memref<4x4096xf32, #tpu.memory_space<hbm>>) target(%arg6 : memref<4x4096xf32, #tpu.memory_space<vmem>>) target_semaphore(%arg10 : memref<!tpu.dma_semaphore, #tpu.memory_space<semaphore_mem>>)
    %add3A_8 = arith.constant 4 : i32
    %add3A_9 = arith.addi %mul3A_2, %add3A_8 : i32
    %dma_start3A_10 = arith.constant 0 : i32
    %dma_start3A_11 = tpu.memref_slice %arg2[%add3A_9, %dma_start3A_10] : memref<16384x4096xf32, #tpu.memory_space<hbm>> -> memref<4x4096xf32, #tpu.memory_space<hbm>>
    %dma_start3A_12 = arith.constant 0 : i32
    %dma_start3A_13 = tpu.memref_slice %arg2[%add3A_9, %dma_start3A_12] : memref<16384x4096xf32, #tpu.memory_space<hbm>> -> memref<4x4096xf32, #tpu.memory_space<hbm>>
    tpu.enqueue_dma source(%dma_start3A_13 : memref<4x4096xf32, #tpu.memory_space<hbm>>) target(%arg7 : memref<4x4096xf32, #tpu.memory_space<vmem>>) target_semaphore(%arg11 : memref<!tpu.dma_semaphore, #tpu.memory_space<semaphore_mem>>)
    %scan3A = arith.constant 0 : i32
    %scan3A_14 = arith.constant 64 : i32
    %scan3A_15 = arith.addi %scan3A, %scan3A_14 : i32
    %scan3A_16 = arith.constant 1 : i32
    scf.for %scan3A_29 = %scan3A to %scan3A_15 step %scan3A_16  : i32 {
      %mul3A_30 = arith.constant 1 : i32
      %mul3A_31 = arith.muli %scan3A_29, %mul3A_30 : i32
      %add3A_32 = arith.constant 0 : i32
      %add3A_33 = arith.addi %add3A_32, %mul3A_31 : i32
      %mul3A_34 = arith.constant 2 : i32
      %mul3A_35 = arith.muli %add3A_33, %mul3A_34 : i32
      %add3A_36 = arith.constant 0 : i32
      %add3A_37 = arith.addi %mul3A_35, %add3A_36 : i32
      %mul3A_38 = arith.constant 4 : i32
      %mul3A_39 = arith.muli %add3A_37, %mul3A_38 : i32
      %add3A_40 = arith.addi %mul3A_2, %mul3A_39 : i32
      %dma_wait3A_41 = arith.constant 0 : i32
      %dma_wait3A_42 = tpu.memref_slice %arg2[%add3A_40, %dma_wait3A_41] : memref<16384x4096xf32, #tpu.memory_space<hbm>> -> memref<4x4096xf32, #tpu.memory_space<hbm>>
      %dma_wait3A_43 = arith.constant 0 : i32
      %dma_wait3A_44 = tpu.memref_slice %arg2[%add3A_40, %dma_wait3A_43] : memref<16384x4096xf32, #tpu.memory_space<hbm>> -> memref<4x4096xf32, #tpu.memory_space<hbm>>
      tpu.wait_dma2 semaphore(%arg10 : memref<!tpu.dma_semaphore, #tpu.memory_space<semaphore_mem>>) src(%dma_wait3A_44 : memref<4x4096xf32, #tpu.memory_space<hbm>>) dst(%arg6 : memref<4x4096xf32, #tpu.memory_space<vmem>>)
      %gt3A = arith.constant 0 : i32
      %gt3A_45 = arith.cmpi sgt, %add3A_33, %gt3A : i32
      %convert_element_type3A = arith.extui %gt3A_45 : i1 to i32
      %cond3A = arith.constant 0 : i32
      %cond3A_46 = arith.cmpi ne, %convert_element_type3A, %cond3A : i32
      scf.if %cond3A_46 {
        %sub3A = arith.constant 2 : i32
        %sub3A_95 = arith.subi %add3A_37, %sub3A : i32
        %mul3A_96 = arith.constant 4 : i32
        %mul3A_97 = arith.muli %sub3A_95, %mul3A_96 : i32
        %add3A_98 = arith.addi %mul3A_2, %mul3A_97 : i32
        %dma_wait3A_99 = arith.constant 0 : i32
        %dma_wait3A_100 = tpu.memref_slice %arg4[%add3A_98, %dma_wait3A_99] : memref<16384x4096xf32, #tpu.memory_space<hbm>> -> memref<4x4096xf32, #tpu.memory_space<hbm>>
        %dma_wait3A_101 = arith.constant 0 : i32
        %dma_wait3A_102 = tpu.memref_slice %arg4[%add3A_98, %dma_wait3A_101] : memref<16384x4096xf32, #tpu.memory_space<hbm>> -> memref<4x4096xf32, #tpu.memory_space<hbm>>
        tpu.wait_dma2 semaphore(%arg12 : memref<!tpu.dma_semaphore, #tpu.memory_space<semaphore_mem>>) src(%arg8 : memref<4x4096xf32, #tpu.memory_space<vmem>>) dst(%dma_wait3A_102 : memref<4x4096xf32, #tpu.memory_space<hbm>>)
      } else {
      }
      %parallel_loop3A = arith.constant 0 : i32
      %parallel_loop3A_47 = arith.constant 2048 : i32
      %parallel_loop3A_48 = arith.constant 16 : i32
      scf.for %parallel_loop3A_95 = %parallel_loop3A to %parallel_loop3A_47 step %parallel_loop3A_48  : i32 {
        %parallel_loop3A_96 = arith.index_cast %parallel_loop3A_95 : i32 to index
        %parallel_loop3A_97 = tpu.vector_load %arg5[%parallel_loop3A_96] {strides = array<i32>} : memref<2048xi32, #tpu.memory_space<vmem>>, vector<16xi32>,
        %parallel_loop3A_98 = arith.constant 65535 : i32
        %parallel_loop3A_99 = vector.broadcast %parallel_loop3A_98 : i32 to vector<16xi32>
        %parallel_loop3A_100 = arith.andi %parallel_loop3A_97, %parallel_loop3A_99 : vector<16xi32>
        %parallel_loop3A_101 = arith.constant 16 : i32
        %parallel_loop3A_102 = vector.broadcast %parallel_loop3A_101 : i32 to vector<16xi32>
        %parallel_loop3A_103 = arith.shrui %parallel_loop3A_97, %parallel_loop3A_102 : vector<16xi32>
        %parallel_loop3A_104 = arith.constant 0 : i32
        %parallel_loop3A_105 = vector.broadcast %parallel_loop3A_104 : i32 to vector<16xi32>
        %parallel_loop3A_106 = tpu.vector_load_idx %arg6[%parallel_loop3A_105, %parallel_loop3A_100] : memref<4x4096xf32, #tpu.memory_space<vmem>>[vector<16xi32>, vector<16xi32>], vector<16xf32>,
        %parallel_loop3A_107 = arith.constant 2 : i32
        %parallel_loop3A_108 = arith.muli %parallel_loop3A_107, %parallel_loop3A_95 : i32
        %parallel_loop3A_109 = arith.constant 0 : i32
        %parallel_loop3A_110 = arith.index_cast %parallel_loop3A_109 : i32 to index
        %parallel_loop3A_111 = arith.index_cast %parallel_loop3A_108 : i32 to index
        %parallel_loop3A_112 = tpu.vector_load %arg8[%parallel_loop3A_110, %parallel_loop3A_111] {strides = array<i32>} : memref<4x4096xf32, #tpu.memory_space<vmem>>, vector<16xf32>,
        tpu.vector_store %arg8[%parallel_loop3A_110, %parallel_loop3A_111], %parallel_loop3A_106 {strides = array<i32>} : memref<4x4096xf32, #tpu.memory_space<vmem>>, vector<16xf32>,
        %parallel_loop3A_113 = tpu.vector_load_idx %arg6[%parallel_loop3A_105, %parallel_loop3A_103] : memref<4x4096xf32, #tpu.memory_space<vmem>>[vector<16xi32>, vector<16xi32>], vector<16xf32>,
        %parallel_loop3A_114 = arith.constant 2 : i32
        %parallel_loop3A_115 = arith.muli %parallel_loop3A_114, %parallel_loop3A_95 : i32
        %parallel_loop3A_116 = arith.constant 16 : i32
        %parallel_loop3A_117 = arith.addi %parallel_loop3A_115, %parallel_loop3A_116 : i32
        %parallel_loop3A_118 = arith.constant 0 : i32
        %parallel_loop3A_119 = arith.index_cast %parallel_loop3A_118 : i32 to index
        %parallel_loop3A_120 = arith.index_cast %parallel_loop3A_117 : i32 to index
        %parallel_loop3A_121 = tpu.vector_load %arg8[%parallel_loop3A_119, %parallel_loop3A_120] {strides = array<i32>} : memref<4x4096xf32, #tpu.memory_space<vmem>>, vector<16xf32>,
        tpu.vector_store %arg8[%parallel_loop3A_119, %parallel_loop3A_120], %parallel_loop3A_113 {strides = array<i32>} : memref<4x4096xf32, #tpu.memory_space<vmem>>, vector<16xf32>,
        %parallel_loop3A_122 = arith.constant 1 : i32
        %parallel_loop3A_123 = vector.broadcast %parallel_loop3A_122 : i32 to vector<16xi32>
        %parallel_loop3A_124 = tpu.vector_load_idx %arg6[%parallel_loop3A_123, %parallel_loop3A_100] : memref<4x4096xf32, #tpu.memory_space<vmem>>[vector<16xi32>, vector<16xi32>], vector<16xf32>,
        %parallel_loop3A_125 = arith.constant 2 : i32
        %parallel_loop3A_126 = arith.muli %parallel_loop3A_125, %parallel_loop3A_95 : i32
        %parallel_loop3A_127 = arith.constant 1 : i32
        %parallel_loop3A_128 = arith.index_cast %parallel_loop3A_127 : i32 to index
        %parallel_loop3A_129 = arith.index_cast %parallel_loop3A_126 : i32 to index
        %parallel_loop3A_130 = tpu.vector_load %arg8[%parallel_loop3A_128, %parallel_loop3A_129] {strides = array<i32>} : memref<4x4096xf32, #tpu.memory_space<vmem>>, vector<16xf32>,
        tpu.vector_store %arg8[%parallel_loop3A_128, %parallel_loop3A_129], %parallel_loop3A_124 {strides = array<i32>} : memref<4x4096xf32, #tpu.memory_space<vmem>>, vector<16xf32>,
        %parallel_loop3A_131 = tpu.vector_load_idx %arg6[%parallel_loop3A_123, %parallel_loop3A_103] : memref<4x4096xf32, #tpu.memory_space<vmem>>[vector<16xi32>, vector<16xi32>], vector<16xf32>,
        %parallel_loop3A_132 = arith.constant 2 : i32
        %parallel_loop3A_133 = arith.muli %parallel_loop3A_132, %parallel_loop3A_95 : i32
        %parallel_loop3A_134 = arith.constant 16 : i32
        %parallel_loop3A_135 = arith.addi %parallel_loop3A_133, %parallel_loop3A_134 : i32
        %parallel_loop3A_136 = arith.constant 1 : i32
        %parallel_loop3A_137 = arith.index_cast %parallel_loop3A_136 : i32 to index
        %parallel_loop3A_138 = arith.index_cast %parallel_loop3A_135 : i32 to index
        %parallel_loop3A_139 = tpu.vector_load %arg8[%parallel_loop3A_137, %parallel_loop3A_138] {strides = array<i32>} : memref<4x4096xf32, #tpu.memory_space<vmem>>, vector<16xf32>,
        tpu.vector_store %arg8[%parallel_loop3A_137, %parallel_loop3A_138], %parallel_loop3A_131 {strides = array<i32>} : memref<4x4096xf32, #tpu.memory_space<vmem>>, vector<16xf32>,
        %parallel_loop3A_140 = arith.constant 2 : i32
        %parallel_loop3A_141 = vector.broadcast %parallel_loop3A_140 : i32 to vector<16xi32>
        %parallel_loop3A_142 = tpu.vector_load_idx %arg6[%parallel_loop3A_141, %parallel_loop3A_100] : memref<4x4096xf32, #tpu.memory_space<vmem>>[vector<16xi32>, vector<16xi32>], vector<16xf32>,
        %parallel_loop3A_143 = arith.constant 2 : i32
        %parallel_loop3A_144 = arith.muli %parallel_loop3A_143, %parallel_loop3A_95 : i32
        %parallel_loop3A_145 = arith.constant 2 : i32
        %parallel_loop3A_146 = arith.index_cast %parallel_loop3A_145 : i32 to index
        %parallel_loop3A_147 = arith.index_cast %parallel_loop3A_144 : i32 to index
        %parallel_loop3A_148 = tpu.vector_load %arg8[%parallel_loop3A_146, %parallel_loop3A_147] {strides = array<i32>} : memref<4x4096xf32, #tpu.memory_space<vmem>>, vector<16xf32>,
        tpu.vector_store %arg8[%parallel_loop3A_146, %parallel_loop3A_147], %parallel_loop3A_142 {strides = array<i32>} : memref<4x4096xf32, #tpu.memory_space<vmem>>, vector<16xf32>,
        %parallel_loop3A_149 = tpu.vector_load_idx %arg6[%parallel_loop3A_141, %parallel_loop3A_103] : memref<4x4096xf32, #tpu.memory_space<vmem>>[vector<16xi32>, vector<16xi32>], vector<16xf32>,
        %parallel_loop3A_150 = arith.constant 2 : i32
        %parallel_loop3A_151 = arith.muli %parallel_loop3A_150, %parallel_loop3A_95 : i32
        %parallel_loop3A_152 = arith.constant 16 : i32
        %parallel_loop3A_153 = arith.addi %parallel_loop3A_151, %parallel_loop3A_152 : i32
        %parallel_loop3A_154 = arith.constant 2 : i32
        %parallel_loop3A_155 = arith.index_cast %parallel_loop3A_154 : i32 to index
        %parallel_loop3A_156 = arith.index_cast %parallel_loop3A_153 : i32 to index
        %parallel_loop3A_157 = tpu.vector_load %arg8[%parallel_loop3A_155, %parallel_loop3A_156] {strides = array<i32>} : memref<4x4096xf32, #tpu.memory_space<vmem>>, vector<16xf32>,
        tpu.vector_store %arg8[%parallel_loop3A_155, %parallel_loop3A_156], %parallel_loop3A_149 {strides = array<i32>} : memref<4x4096xf32, #tpu.memory_space<vmem>>, vector<16xf32>,
        %parallel_loop3A_158 = arith.constant 3 : i32
        %parallel_loop3A_159 = vector.broadcast %parallel_loop3A_158 : i32 to vector<16xi32>
        %parallel_loop3A_160 = tpu.vector_load_idx %arg6[%parallel_loop3A_159, %parallel_loop3A_100] : memref<4x4096xf32, #tpu.memory_space<vmem>>[vector<16xi32>, vector<16xi32>], vector<16xf32>,
        %parallel_loop3A_161 = arith.constant 2 : i32
        %parallel_loop3A_162 = arith.muli %parallel_loop3A_161, %parallel_loop3A_95 : i32
        %parallel_loop3A_163 = arith.constant 3 : i32
        %parallel_loop3A_164 = arith.index_cast %parallel_loop3A_163 : i32 to index
        %parallel_loop3A_165 = arith.index_cast %parallel_loop3A_162 : i32 to index
        %parallel_loop3A_166 = tpu.vector_load %arg8[%parallel_loop3A_164, %parallel_loop3A_165] {strides = array<i32>} : memref<4x4096xf32, #tpu.memory_space<vmem>>, vector<16xf32>,
        tpu.vector_store %arg8[%parallel_loop3A_164, %parallel_loop3A_165], %parallel_loop3A_160 {strides = array<i32>} : memref<4x4096xf32, #tpu.memory_space<vmem>>, vector<16xf32>,
        %parallel_loop3A_167 = tpu.vector_load_idx %arg6[%parallel_loop3A_159, %parallel_loop3A_103] : memref<4x4096xf32, #tpu.memory_space<vmem>>[vector<16xi32>, vector<16xi32>], vector<16xf32>,
        %parallel_loop3A_168 = arith.constant 2 : i32
        %parallel_loop3A_169 = arith.muli %parallel_loop3A_168, %parallel_loop3A_95 : i32
        %parallel_loop3A_170 = arith.constant 16 : i32
        %parallel_loop3A_171 = arith.addi %parallel_loop3A_169, %parallel_loop3A_170 : i32
        %parallel_loop3A_172 = arith.constant 3 : i32
        %parallel_loop3A_173 = arith.index_cast %parallel_loop3A_172 : i32 to index
        %parallel_loop3A_174 = arith.index_cast %parallel_loop3A_171 : i32 to index
        %parallel_loop3A_175 = tpu.vector_load %arg8[%parallel_loop3A_173, %parallel_loop3A_174] {strides = array<i32>} : memref<4x4096xf32, #tpu.memory_space<vmem>>, vector<16xf32>,
        tpu.vector_store %arg8[%parallel_loop3A_173, %parallel_loop3A_174], %parallel_loop3A_167 {strides = array<i32>} : memref<4x4096xf32, #tpu.memory_space<vmem>>, vector<16xf32>,
      } {sc.loop_unroll_factor = 4 : i64, sc.parallel_access}
      %mul3A_49 = arith.constant 4 : i32
      %mul3A_50 = arith.muli %add3A_37, %mul3A_49 : i32
      %add3A_51 = arith.addi %mul3A_2, %mul3A_50 : i32
      %dma_start3A_52 = arith.constant 0 : i32
      %dma_start3A_53 = tpu.memref_slice %arg4[%add3A_51, %dma_start3A_52] : memref<16384x4096xf32, #tpu.memory_space<hbm>> -> memref<4x4096xf32, #tpu.memory_space<hbm>>
      %dma_start3A_54 = arith.constant 0 : i32
      %dma_start3A_55 = tpu.memref_slice %arg4[%add3A_51, %dma_start3A_54] : memref<16384x4096xf32, #tpu.memory_space<hbm>> -> memref<4x4096xf32, #tpu.memory_space<hbm>>
      tpu.enqueue_dma source(%arg8 : memref<4x4096xf32, #tpu.memory_space<vmem>>) target(%dma_start3A_55 : memref<4x4096xf32, #tpu.memory_space<hbm>>) target_semaphore(%arg12 : memref<!tpu.dma_semaphore, #tpu.memory_space<semaphore_mem>>)
      %add3A_56 = arith.constant 2 : i32
      %add3A_57 = arith.addi %add3A_37, %add3A_56 : i32
      %lt3A = arith.constant 128 : i32
      %lt3A_58 = arith.cmpi slt, %add3A_57, %lt3A : i32
      %convert_element_type3A_59 = arith.extui %lt3A_58 : i1 to i32
      %cond3A_60 = arith.constant 0 : i32
      %cond3A_61 = arith.cmpi ne, %convert_element_type3A_59, %cond3A_60 : i32
      scf.if %cond3A_61 {
        %add3A_95 = arith.constant 2 : i32
        %add3A_96 = arith.addi %add3A_37, %add3A_95 : i32
        %mul3A_97 = arith.constant 4 : i32
        %mul3A_98 = arith.muli %add3A_96, %mul3A_97 : i32
        %add3A_99 = arith.addi %mul3A_2, %mul3A_98 : i32
        %dma_start3A_100 = arith.constant 0 : i32
        %dma_start3A_101 = tpu.memref_slice %arg2[%add3A_99, %dma_start3A_100] : memref<16384x4096xf32, #tpu.memory_space<hbm>> -> memref<4x4096xf32, #tpu.memory_space<hbm>>
        %dma_start3A_102 = arith.constant 0 : i32
        %dma_start3A_103 = tpu.memref_slice %arg2[%add3A_99, %dma_start3A_102] : memref<16384x4096xf32, #tpu.memory_space<hbm>> -> memref<4x4096xf32, #tpu.memory_space<hbm>>
        tpu.enqueue_dma source(%dma_start3A_103 : memref<4x4096xf32, #tpu.memory_space<hbm>>) target(%arg6 : memref<4x4096xf32, #tpu.memory_space<vmem>>) target_semaphore(%arg10 : memref<!tpu.dma_semaphore, #tpu.memory_space<semaphore_mem>>)
      } else {
      }
      %mul3A_62 = arith.constant 2 : i32
      %mul3A_63 = arith.muli %add3A_33, %mul3A_62 : i32
      %add3A_64 = arith.constant 1 : i32
      %add3A_65 = arith.addi %mul3A_63, %add3A_64 : i32
      %mul3A_66 = arith.constant 4 : i32
      %mul3A_67 = arith.muli %add3A_65, %mul3A_66 : i32
      %add3A_68 = arith.addi %mul3A_2, %mul3A_67 : i32
      %dma_wait3A_69 = arith.constant 0 : i32
      %dma_wait3A_70 = tpu.memref_slice %arg2[%add3A_68, %dma_wait3A_69] : memref<16384x4096xf32, #tpu.memory_space<hbm>> -> memref<4x4096xf32, #tpu.memory_space<hbm>>
      %dma_wait3A_71 = arith.constant 0 : i32
      %dma_wait3A_72 = tpu.memref_slice %arg2[%add3A_68, %dma_wait3A_71] : memref<16384x4096xf32, #tpu.memory_space<hbm>> -> memref<4x4096xf32, #tpu.memory_space<hbm>>
      tpu.wait_dma2 semaphore(%arg11 : memref<!tpu.dma_semaphore, #tpu.memory_space<semaphore_mem>>) src(%dma_wait3A_72 : memref<4x4096xf32, #tpu.memory_space<hbm>>) dst(%arg7 : memref<4x4096xf32, #tpu.memory_space<vmem>>)
      %gt3A_73 = arith.constant 0 : i32
      %gt3A_74 = arith.cmpi sgt, %add3A_33, %gt3A_73 : i32
      %convert_element_type3A_75 = arith.extui %gt3A_74 : i1 to i32
      %cond3A_76 = arith.constant 0 : i32
      %cond3A_77 = arith.cmpi ne, %convert_element_type3A_75, %cond3A_76 : i32
      scf.if %cond3A_77 {
        %sub3A = arith.constant 2 : i32
        %sub3A_95 = arith.subi %add3A_65, %sub3A : i32
        %mul3A_96 = arith.constant 4 : i32
        %mul3A_97 = arith.muli %sub3A_95, %mul3A_96 : i32
        %add3A_98 = arith.addi %mul3A_2, %mul3A_97 : i32
        %dma_wait3A_99 = arith.constant 0 : i32
        %dma_wait3A_100 = tpu.memref_slice %arg4[%add3A_98, %dma_wait3A_99] : memref<16384x4096xf32, #tpu.memory_space<hbm>> -> memref<4x4096xf32, #tpu.memory_space<hbm>>
        %dma_wait3A_101 = arith.constant 0 : i32
        %dma_wait3A_102 = tpu.memref_slice %arg4[%add3A_98, %dma_wait3A_101] : memref<16384x4096xf32, #tpu.memory_space<hbm>> -> memref<4x4096xf32, #tpu.memory_space<hbm>>
        tpu.wait_dma2 semaphore(%arg13 : memref<!tpu.dma_semaphore, #tpu.memory_space<semaphore_mem>>) src(%arg9 : memref<4x4096xf32, #tpu.memory_space<vmem>>) dst(%dma_wait3A_102 : memref<4x4096xf32, #tpu.memory_space<hbm>>)
      } else {
      }
      %parallel_loop3A_78 = arith.constant 0 : i32
      %parallel_loop3A_79 = arith.constant 2048 : i32
      %parallel_loop3A_80 = arith.constant 16 : i32
      scf.for %parallel_loop3A_95 = %parallel_loop3A_78 to %parallel_loop3A_79 step %parallel_loop3A_80  : i32 {
        %parallel_loop3A_96 = arith.index_cast %parallel_loop3A_95 : i32 to index
        %parallel_loop3A_97 = tpu.vector_load %arg5[%parallel_loop3A_96] {strides = array<i32>} : memref<2048xi32, #tpu.memory_space<vmem>>, vector<16xi32>,
        %parallel_loop3A_98 = arith.constant 65535 : i32
        %parallel_loop3A_99 = vector.broadcast %parallel_loop3A_98 : i32 to vector<16xi32>
        %parallel_loop3A_100 = arith.andi %parallel_loop3A_97, %parallel_loop3A_99 : vector<16xi32>
        %parallel_loop3A_101 = arith.constant 16 : i32
        %parallel_loop3A_102 = vector.broadcast %parallel_loop3A_101 : i32 to vector<16xi32>
        %parallel_loop3A_103 = arith.shrui %parallel_loop3A_97, %parallel_loop3A_102 : vector<16xi32>
        %parallel_loop3A_104 = arith.constant 0 : i32
        %parallel_loop3A_105 = vector.broadcast %parallel_loop3A_104 : i32 to vector<16xi32>
        %parallel_loop3A_106 = tpu.vector_load_idx %arg7[%parallel_loop3A_105, %parallel_loop3A_100] : memref<4x4096xf32, #tpu.memory_space<vmem>>[vector<16xi32>, vector<16xi32>], vector<16xf32>,
        %parallel_loop3A_107 = arith.constant 2 : i32
        %parallel_loop3A_108 = arith.muli %parallel_loop3A_107, %parallel_loop3A_95 : i32
        %parallel_loop3A_109 = arith.constant 0 : i32
        %parallel_loop3A_110 = arith.index_cast %parallel_loop3A_109 : i32 to index
        %parallel_loop3A_111 = arith.index_cast %parallel_loop3A_108 : i32 to index
        %parallel_loop3A_112 = tpu.vector_load %arg9[%parallel_loop3A_110, %parallel_loop3A_111] {strides = array<i32>} : memref<4x4096xf32, #tpu.memory_space<vmem>>, vector<16xf32>,
        tpu.vector_store %arg9[%parallel_loop3A_110, %parallel_loop3A_111], %parallel_loop3A_106 {strides = array<i32>} : memref<4x4096xf32, #tpu.memory_space<vmem>>, vector<16xf32>,
        %parallel_loop3A_113 = tpu.vector_load_idx %arg7[%parallel_loop3A_105, %parallel_loop3A_103] : memref<4x4096xf32, #tpu.memory_space<vmem>>[vector<16xi32>, vector<16xi32>], vector<16xf32>,
        %parallel_loop3A_114 = arith.constant 2 : i32
        %parallel_loop3A_115 = arith.muli %parallel_loop3A_114, %parallel_loop3A_95 : i32
        %parallel_loop3A_116 = arith.constant 16 : i32
        %parallel_loop3A_117 = arith.addi %parallel_loop3A_115, %parallel_loop3A_116 : i32
        %parallel_loop3A_118 = arith.constant 0 : i32
        %parallel_loop3A_119 = arith.index_cast %parallel_loop3A_118 : i32 to index
        %parallel_loop3A_120 = arith.index_cast %parallel_loop3A_117 : i32 to index
        %parallel_loop3A_121 = tpu.vector_load %arg9[%parallel_loop3A_119, %parallel_loop3A_120] {strides = array<i32>} : memref<4x4096xf32, #tpu.memory_space<vmem>>, vector<16xf32>,
        tpu.vector_store %arg9[%parallel_loop3A_119, %parallel_loop3A_120], %parallel_loop3A_113 {strides = array<i32>} : memref<4x4096xf32, #tpu.memory_space<vmem>>, vector<16xf32>,
        %parallel_loop3A_122 = arith.constant 1 : i32
        %parallel_loop3A_123 = vector.broadcast %parallel_loop3A_122 : i32 to vector<16xi32>
        %parallel_loop3A_124 = tpu.vector_load_idx %arg7[%parallel_loop3A_123, %parallel_loop3A_100] : memref<4x4096xf32, #tpu.memory_space<vmem>>[vector<16xi32>, vector<16xi32>], vector<16xf32>,
        %parallel_loop3A_125 = arith.constant 2 : i32
        %parallel_loop3A_126 = arith.muli %parallel_loop3A_125, %parallel_loop3A_95 : i32
        %parallel_loop3A_127 = arith.constant 1 : i32
        %parallel_loop3A_128 = arith.index_cast %parallel_loop3A_127 : i32 to index
        %parallel_loop3A_129 = arith.index_cast %parallel_loop3A_126 : i32 to index
        %parallel_loop3A_130 = tpu.vector_load %arg9[%parallel_loop3A_128, %parallel_loop3A_129] {strides = array<i32>} : memref<4x4096xf32, #tpu.memory_space<vmem>>, vector<16xf32>,
        tpu.vector_store %arg9[%parallel_loop3A_128, %parallel_loop3A_129], %parallel_loop3A_124 {strides = array<i32>} : memref<4x4096xf32, #tpu.memory_space<vmem>>, vector<16xf32>,
        %parallel_loop3A_131 = tpu.vector_load_idx %arg7[%parallel_loop3A_123, %parallel_loop3A_103] : memref<4x4096xf32, #tpu.memory_space<vmem>>[vector<16xi32>, vector<16xi32>], vector<16xf32>,
        %parallel_loop3A_132 = arith.constant 2 : i32
        %parallel_loop3A_133 = arith.muli %parallel_loop3A_132, %parallel_loop3A_95 : i32
        %parallel_loop3A_134 = arith.constant 16 : i32
        %parallel_loop3A_135 = arith.addi %parallel_loop3A_133, %parallel_loop3A_134 : i32
        %parallel_loop3A_136 = arith.constant 1 : i32
        %parallel_loop3A_137 = arith.index_cast %parallel_loop3A_136 : i32 to index
        %parallel_loop3A_138 = arith.index_cast %parallel_loop3A_135 : i32 to index
        %parallel_loop3A_139 = tpu.vector_load %arg9[%parallel_loop3A_137, %parallel_loop3A_138] {strides = array<i32>} : memref<4x4096xf32, #tpu.memory_space<vmem>>, vector<16xf32>,
        tpu.vector_store %arg9[%parallel_loop3A_137, %parallel_loop3A_138], %parallel_loop3A_131 {strides = array<i32>} : memref<4x4096xf32, #tpu.memory_space<vmem>>, vector<16xf32>,
        %parallel_loop3A_140 = arith.constant 2 : i32
        %parallel_loop3A_141 = vector.broadcast %parallel_loop3A_140 : i32 to vector<16xi32>
        %parallel_loop3A_142 = tpu.vector_load_idx %arg7[%parallel_loop3A_141, %parallel_loop3A_100] : memref<4x4096xf32, #tpu.memory_space<vmem>>[vector<16xi32>, vector<16xi32>], vector<16xf32>,
        %parallel_loop3A_143 = arith.constant 2 : i32
        %parallel_loop3A_144 = arith.muli %parallel_loop3A_143, %parallel_loop3A_95 : i32
        %parallel_loop3A_145 = arith.constant 2 : i32
        %parallel_loop3A_146 = arith.index_cast %parallel_loop3A_145 : i32 to index
        %parallel_loop3A_147 = arith.index_cast %parallel_loop3A_144 : i32 to index
        %parallel_loop3A_148 = tpu.vector_load %arg9[%parallel_loop3A_146, %parallel_loop3A_147] {strides = array<i32>} : memref<4x4096xf32, #tpu.memory_space<vmem>>, vector<16xf32>,
        tpu.vector_store %arg9[%parallel_loop3A_146, %parallel_loop3A_147], %parallel_loop3A_142 {strides = array<i32>} : memref<4x4096xf32, #tpu.memory_space<vmem>>, vector<16xf32>,
        %parallel_loop3A_149 = tpu.vector_load_idx %arg7[%parallel_loop3A_141, %parallel_loop3A_103] : memref<4x4096xf32, #tpu.memory_space<vmem>>[vector<16xi32>, vector<16xi32>], vector<16xf32>,
        %parallel_loop3A_150 = arith.constant 2 : i32
        %parallel_loop3A_151 = arith.muli %parallel_loop3A_150, %parallel_loop3A_95 : i32
        %parallel_loop3A_152 = arith.constant 16 : i32
        %parallel_loop3A_153 = arith.addi %parallel_loop3A_151, %parallel_loop3A_152 : i32
        %parallel_loop3A_154 = arith.constant 2 : i32
        %parallel_loop3A_155 = arith.index_cast %parallel_loop3A_154 : i32 to index
        %parallel_loop3A_156 = arith.index_cast %parallel_loop3A_153 : i32 to index
        %parallel_loop3A_157 = tpu.vector_load %arg9[%parallel_loop3A_155, %parallel_loop3A_156] {strides = array<i32>} : memref<4x4096xf32, #tpu.memory_space<vmem>>, vector<16xf32>,
        tpu.vector_store %arg9[%parallel_loop3A_155, %parallel_loop3A_156], %parallel_loop3A_149 {strides = array<i32>} : memref<4x4096xf32, #tpu.memory_space<vmem>>, vector<16xf32>,
        %parallel_loop3A_158 = arith.constant 3 : i32
        %parallel_loop3A_159 = vector.broadcast %parallel_loop3A_158 : i32 to vector<16xi32>
        %parallel_loop3A_160 = tpu.vector_load_idx %arg7[%parallel_loop3A_159, %parallel_loop3A_100] : memref<4x4096xf32, #tpu.memory_space<vmem>>[vector<16xi32>, vector<16xi32>], vector<16xf32>,
        %parallel_loop3A_161 = arith.constant 2 : i32
        %parallel_loop3A_162 = arith.muli %parallel_loop3A_161, %parallel_loop3A_95 : i32
        %parallel_loop3A_163 = arith.constant 3 : i32
        %parallel_loop3A_164 = arith.index_cast %parallel_loop3A_163 : i32 to index
        %parallel_loop3A_165 = arith.index_cast %parallel_loop3A_162 : i32 to index
        %parallel_loop3A_166 = tpu.vector_load %arg9[%parallel_loop3A_164, %parallel_loop3A_165] {strides = array<i32>} : memref<4x4096xf32, #tpu.memory_space<vmem>>, vector<16xf32>,
        tpu.vector_store %arg9[%parallel_loop3A_164, %parallel_loop3A_165], %parallel_loop3A_160 {strides = array<i32>} : memref<4x4096xf32, #tpu.memory_space<vmem>>, vector<16xf32>,
        %parallel_loop3A_167 = tpu.vector_load_idx %arg7[%parallel_loop3A_159, %parallel_loop3A_103] : memref<4x4096xf32, #tpu.memory_space<vmem>>[vector<16xi32>, vector<16xi32>], vector<16xf32>,
        %parallel_loop3A_168 = arith.constant 2 : i32
        %parallel_loop3A_169 = arith.muli %parallel_loop3A_168, %parallel_loop3A_95 : i32
        %parallel_loop3A_170 = arith.constant 16 : i32
        %parallel_loop3A_171 = arith.addi %parallel_loop3A_169, %parallel_loop3A_170 : i32
        %parallel_loop3A_172 = arith.constant 3 : i32
        %parallel_loop3A_173 = arith.index_cast %parallel_loop3A_172 : i32 to index
        %parallel_loop3A_174 = arith.index_cast %parallel_loop3A_171 : i32 to index
        %parallel_loop3A_175 = tpu.vector_load %arg9[%parallel_loop3A_173, %parallel_loop3A_174] {strides = array<i32>} : memref<4x4096xf32, #tpu.memory_space<vmem>>, vector<16xf32>,
        tpu.vector_store %arg9[%parallel_loop3A_173, %parallel_loop3A_174], %parallel_loop3A_167 {strides = array<i32>} : memref<4x4096xf32, #tpu.memory_space<vmem>>, vector<16xf32>,
      } {sc.loop_unroll_factor = 4 : i64, sc.parallel_access}
      %mul3A_81 = arith.constant 4 : i32
      %mul3A_82 = arith.muli %add3A_65, %mul3A_81 : i32
      %add3A_83 = arith.addi %mul3A_2, %mul3A_82 : i32
      %dma_start3A_84 = arith.constant 0 : i32
      %dma_start3A_85 = tpu.memref_slice %arg4[%add3A_83, %dma_start3A_84] : memref<16384x4096xf32, #tpu.memory_space<hbm>> -> memref<4x4096xf32, #tpu.memory_space<hbm>>
      %dma_start3A_86 = arith.constant 0 : i32
      %dma_start3A_87 = tpu.memref_slice %arg4[%add3A_83, %dma_start3A_86] : memref<16384x4096xf32, #tpu.memory_space<hbm>> -> memref<4x4096xf32, #tpu.memory_space<hbm>>
      tpu.enqueue_dma source(%arg9 : memref<4x4096xf32, #tpu.memory_space<vmem>>) target(%dma_start3A_87 : memref<4x4096xf32, #tpu.memory_space<hbm>>) target_semaphore(%arg13 : memref<!tpu.dma_semaphore, #tpu.memory_space<semaphore_mem>>)
      %add3A_88 = arith.constant 2 : i32
      %add3A_89 = arith.addi %add3A_65, %add3A_88 : i32
      %lt3A_90 = arith.constant 128 : i32
      %lt3A_91 = arith.cmpi slt, %add3A_89, %lt3A_90 : i32
      %convert_element_type3A_92 = arith.extui %lt3A_91 : i1 to i32
      %cond3A_93 = arith.constant 0 : i32
      %cond3A_94 = arith.cmpi ne, %convert_element_type3A_92, %cond3A_93 : i32
      scf.if %cond3A_94 {
        %add3A_95 = arith.constant 2 : i32
        %add3A_96 = arith.addi %add3A_65, %add3A_95 : i32
        %mul3A_97 = arith.constant 4 : i32
        %mul3A_98 = arith.muli %add3A_96, %mul3A_97 : i32
        %add3A_99 = arith.addi %mul3A_2, %mul3A_98 : i32
        %dma_start3A_100 = arith.constant 0 : i32
        %dma_start3A_101 = tpu.memref_slice %arg2[%add3A_99, %dma_start3A_100] : memref<16384x4096xf32, #tpu.memory_space<hbm>> -> memref<4x4096xf32, #tpu.memory_space<hbm>>
        %dma_start3A_102 = arith.constant 0 : i32
        %dma_start3A_103 = tpu.memref_slice %arg2[%add3A_99, %dma_start3A_102] : memref<16384x4096xf32, #tpu.memory_space<hbm>> -> memref<4x4096xf32, #tpu.memory_space<hbm>>
        tpu.enqueue_dma source(%dma_start3A_103 : memref<4x4096xf32, #tpu.memory_space<hbm>>) target(%arg7 : memref<4x4096xf32, #tpu.memory_space<vmem>>) target_semaphore(%arg11 : memref<!tpu.dma_semaphore, #tpu.memory_space<semaphore_mem>>)
      } else {
      }
    }
    %scan3A_17 = arith.constant 64 : i32
    %add3A_18 = arith.constant 504 : i32
    %add3A_19 = arith.addi %mul3A_2, %add3A_18 : i32
    %dma_wait3A = arith.constant 0 : i32
    %dma_wait3A_20 = tpu.memref_slice %arg4[%add3A_19, %dma_wait3A] : memref<16384x4096xf32, #tpu.memory_space<hbm>> -> memref<4x4096xf32, #tpu.memory_space<hbm>>
    %dma_wait3A_21 = arith.constant 0 : i32
    %dma_wait3A_22 = tpu.memref_slice %arg4[%add3A_19, %dma_wait3A_21] : memref<16384x4096xf32, #tpu.memory_space<hbm>> -> memref<4x4096xf32, #tpu.memory_space<hbm>>
    tpu.wait_dma2 semaphore(%arg12 : memref<!tpu.dma_semaphore, #tpu.memory_space<semaphore_mem>>) src(%arg8 : memref<4x4096xf32, #tpu.memory_space<vmem>>) dst(%dma_wait3A_22 : memref<4x4096xf32, #tpu.memory_space<hbm>>)
    %add3A_23 = arith.constant 508 : i32
    %add3A_24 = arith.addi %mul3A_2, %add3A_23 : i32
    %dma_wait3A_25 = arith.constant 0 : i32
    %dma_wait3A_26 = tpu.memref_slice %arg4[%add3A_24, %dma_wait3A_25] : memref<16384x4096xf32, #tpu.memory_space<hbm>> -> memref<4x4096xf32, #tpu.memory_space<hbm>>
    %dma_wait3A_27 = arith.constant 0 : i32
    %dma_wait3A_28 = tpu.memref_slice %arg4[%add3A_24, %dma_wait3A_27] : memref<16384x4096xf32, #tpu.memory_space<hbm>> -> memref<4x4096xf32, #tpu.memory_space<hbm>>
    tpu.wait_dma2 semaphore(%arg13 : memref<!tpu.dma_semaphore, #tpu.memory_space<semaphore_mem>>) src(%arg9 : memref<4x4096xf32, #tpu.memory_space<vmem>>) dst(%dma_wait3A_28 : memref<4x4096xf32, #tpu.memory_space<hbm>>)
    return
  }
}

</mosaic_0001>

<sc_bundles>
// kernel: kernel.3.cloned.1.call-start
scs
__scs_entry_jumppad:
0x0: {  	(pc) =	sbr.rel $0x88, $3  }
0x1: {  	(tag) =	ssettag $0x0;
	lr =	simm.s32 $0x1  }
0x2: {  	[smem:$0x3F9F] =	sst lr;
	_ =	strace $0xD0000000  }
0x3: {  	_ = 	snop  }
0x4: {  	_ = 	snop  }
0x5: {  	_ = 	snop  }
0x6: {  	_ = 	snop  }
0x7: {  	_ = 	snop  }
__scs_overlays_trampoline_lowered:
0x8: {  	[smem:$0x3FAE] =	sst s0  }
0x9: {  	[smem:$0x3FAF] =	sst s1  }
0xa: {  	[smem:$0x3FB0] =	sst s2  }
0xb: {  	[smem:$0x3FB1] =	sst s3  }
0xc: {  	[smem:$0x3FB2] =	sst s4  }
0xd: {  	[smem:$0x3FB3] =	sst s5  }
0xe: {  	[smem:$0x3FB4] =	sst s6  }
0xf: {  	[smem:$0x3FB5] =	sst s7  }
0x10: {  	[smem:$0x3FB6] =	sst s8  }
0x11: {  	[smem:$0x3FB7] =	sst s9;
	s0 =	simm.s32 @!p0 $0x0  }
0x12: {  	s1 =	sld [smem:$0x3F9D];
	s0 =	simm.s32 @p0 $0x1  }
0x13: {  	[smem:$0x3FB8] =	sst s0;
	s0 =	simm.s32 @!p1 $0x0  }
0x14: {  	s2 =	sld [smem:$0x3F9C];
	s0 =	simm.s32 @p1 $0x1  }
0x15: {  	[smem:$0x3FB9] =	sst s0;
	s0 =	simm.s32 @!p2 $0x0  }
0x16: {  	s3 =	sld [smem:$0x3FDB];
	s0 =	simm.s32 @p2 $0x1  }
0x17: {  	s4 =	simm.s32 $0x1BF5;
	[smem:$0x3FBB] =	sst s0  }
0x18: {  	s0 =	sld [smem:$0x3F9E];
	_ =	swait.ge [sflag:s4], $0x0  }
0x19: {  	s7 =	sld [smem:$0x3F9F]  }
0x1a: {  	s8 =	sadd.s32 $0xFFFFE003, lr  }
0x1b: {  	s9 =	sadd.s32 $0xFFFFFEF7, lr;
	s5 =	simm.s32 $0xFFFFFFFF;
	p2 =	slt.u32 s8, $0xFFFFF086  }
0x1c: {  	p1 =	slt.u32 s9, $0xF7A;
	s5 =	simm.s32 @!p2 $0x0  }
0x1d: {  	s5 =	simm.s32 @p1 $0x1;
	p0 =	seq.s32 s7, s2  }
0x1e: {  	s7 =	smul.u32 @!p0 $0xF7A, s2;
	p2 =	seq.s32 @!p0 s5, $0x0  }
0x1f: {  	s9 =	smul.u32 $0xF7A, s1;
	s8 =	simm.s32 @!p0 $0x1BF5;
	p2 =	por !p2, p0  }
0x20: {  	[sflag:s8] =	ssyncset.s32 @!p0 $0xFFFFF086;
	s6 =	sadd.s32 @!p0 s3, s7;
	s7 =	simm.s32 @!p0 $0x108  }
0x21: {  	s3 =	sadd.s32 s3, s9;
	s6 =	sadd.s32 @!p0 $0x88, s6;
	s7 =	simm.s32 @p2 $0x1082  }
0x22: {  	[simem:s7], [sflag:s8] =	dma.local @!p0 [hbm:s6], $0xF7A  }
0x23: {  	s9 =	sor.u32 $0xD0000000, s2;
	s6 =	simm.s32 $0x108;
	_ =	swait.ge @!p0 [sflag:s8], $0x0  }
0x24: {  	s3 =	sadd.s32 $0x88, s3;
	s6 =	simm.s32 @!p1 $0x1082;
	[sflag:s4] =	ssyncset.s32 $0xFFFFF086  }
0x25: {  	[simem:s6], [sflag:s4] =	dma.local [hbm:s3], $0xF7A  }
0x26: {  	[smem:$0x3F9F] =	sst s1;
	(tag) =	ssettag s2;
	_ =	strace s9  }
0x27: {  	s1 =	sld [smem:$0x3FAF]  }
0x28: {  	s2 =	sld [smem:$0x3FB0]  }
0x29: {  	s4 =	sld [smem:$0x3FB2]  }
0x2a: {  	p0 =	seq.s32 s5, $0x0;
	s5 =	sld [smem:$0x3FB3]  }
0x2b: {  	s6 =	sld [smem:$0x3FB4]  }
0x2c: {  	s7 =	sld [smem:$0x3FB5]  }
0x2d: {  	s3 =	simm.s32 $0x108;
	s8 =	sld [smem:$0x3FB6]  }
0x2e: {  	s3 =	simm.s32 @!p0 $0x1082;
	s9 =	sld [smem:$0x3FB7]  }
0x2f: {  	lr =	sadd.s32 s0, s3;
	s0 =	sld [smem:$0x3FAE]  }
0x30: {  	s3 =	sld [smem:$0x3FB1]  }
0x31: {  	[smem:$0x3FBA] =	sst s10  }
0x32: {  	s10 =	sld [smem:$0x3FB8];
	_ =	sdelay $0x3  }
0x33: {  	p0 =	seq.s32 s10, $0x1;
	s10 =	sld [smem:$0x3FBA];
	_ =	sdelay $0x3  }
0x34: {  	[smem:$0x3FBA] =	sst s10  }
0x35: {  	s10 =	sld [smem:$0x3FB9];
	_ =	sdelay $0x3  }
0x36: {  	p1 =	seq.s32 s10, $0x1;
	s10 =	sld [smem:$0x3FBA];
	_ =	sdelay $0x3  }
0x37: {  	[smem:$0x3FBA] =	sst s10  }
0x38: {  	s10 =	sld [smem:$0x3FBB]  }
0x39: {  	_ = 	snop;
	(pc) =	sbr.ind lr, $3  }
0x3a: {  	_ = 	snop  }
0x3b: {  	_ = 	snop  }
0x3c: {  	p2 =	seq.s32 s10, $0x1;
	s10 =	sld [smem:$0x3FBA]  }
0x3d: {  	_ =	shalt  }
0x3e: {  	_ =	shalt  }
0x3f: {  	_ =	shalt  }
0x40: {  	_ =	shalt  }
0x41: {  	_ =	shalt  }
0x42: {  	_ =	shalt  }
0x43: {  	_ =	shalt  }
0x44: {  	_ =	shalt  }
0x45: {  	_ =	shalt  }
0x46: {  	_ =	shalt  }
0x47: {  	_ =	shalt  }
0x48: {  	_ =	shalt  }
0x49: {  	_ =	shalt  }
0x4a: {  	_ =	shalt  }
0x4b: {  	_ =	shalt  }
0x4c: {  	_ =	shalt  }
0x4d: {  	_ =	shalt  }
0x4e: {  	_ =	shalt  }
0x4f: {  	_ =	shalt  }
0x50: {  	_ =	shalt  }
0x51: {  	_ =	shalt  }
0x52: {  	_ =	shalt  }
0x53: {  	_ =	shalt  }
0x54: {  	_ =	shalt  }
0x55: {  	_ =	shalt  }
0x56: {  	_ =	shalt  }
0x57: {  	_ =	shalt  }
0x58: {  	_ =	shalt  }
0x59: {  	_ =	shalt  }
0x5a: {  	_ =	shalt  }
0x5b: {  	_ =	shalt  }
0x5c: {  	_ =	shalt  }
0x5d: {  	_ =	shalt  }
0x5e: {  	_ =	shalt  }
0x5f: {  	_ =	shalt  }
0x60: {  	_ =	shalt  }
0x61: {  	_ =	shalt  }
0x62: {  	_ =	shalt  }
0x63: {  	_ =	shalt  }
0x64: {  	_ =	shalt  }
0x65: {  	_ =	shalt  }
0x66: {  	_ =	shalt  }
0x67: {  	_ =	shalt  }
0x68: {  	_ =	shalt  }
0x69: {  	_ =	shalt  }
0x6a: {  	_ =	shalt  }
0x6b: {  	_ =	shalt  }
0x6c: {  	_ =	shalt  }
0x6d: {  	_ =	shalt  }
0x6e: {  	_ =	shalt  }
0x6f: {  	_ =	shalt  }
0x70: {  	_ =	shalt  }
0x71: {  	_ =	shalt  }
0x72: {  	_ =	shalt  }
0x73: {  	_ =	shalt  }
0x74: {  	_ =	shalt  }
0x75: {  	_ =	shalt  }
0x76: {  	_ =	shalt  }
0x77: {  	_ =	shalt  }
0x78: {  	_ =	shalt  }
0x79: {  	_ =	shalt  }
0x7a: {  	_ =	shalt  }
0x7b: {  	_ =	shalt  }
0x7c: {  	_ =	shalt  }
0x7d: {  	_ =	shalt  }
0x7e: {  	_ =	shalt  }
0x7f: {  	_ =	shalt  }
0x80: {  	_ =	shalt  }
0x81: {  	_ =	shalt  }
0x82: {  	_ =	shalt  }
0x83: {  	_ =	shalt  }
0x84: {  	_ =	shalt  }
0x85: {  	_ =	shalt  }
0x86: {  	_ =	shalt  }
0x87: {  	_ =	shalt  }
.Lfunc_end0:
.L_simem_size_0:
called_computation_lowered:
.L_overlay_start_0:
0x88: {  	s2 =	sld [smem:$0x3FD9]  }
0x89: {  	s3 =	sld [smem:$0x3FFE];
	_ =	sdelay $0x1  }
0x8a: {  	s1 =	srdreg.scid  }
0x8b: {  	s0 =	sand.u32 $0x1, s1  }
0x8c: {  	s15 =	sshll.u32 s0, $0xA;
	s2 =	sadd.s32 s3, s2  }
0x8d: {  	s2 =	sadd.s32 s2, s15  }
0x8e: {  	[smem:$0x3FC6] =	sst s2  }
0x8f: {  	_ = 	snop  }
0x90: {  	s2 =	sld [smem:$0x3FD0];
	_ =	sdelay $0x2  }
0x91: {  	s4 =	simm.s32 $0xA;
	s5 =	simm.s32 $0x10;
	s16 =	sld [smem:$0x3FC9]  }
0x92: {  	[smem:s5], [sflag:s4] =	dma.local [hbm:s2], $0x1  }
0x93: {  	_ =	swait.eq [sflag:s4], $0x1  }
0x94: {  	[sflag:s4] =	ssyncset.done $0x0  }
0x95: {  	s17 =	sld [smem:$0x10];
	[sflag:s4] =	ssyncadd.s32 $0xFFFFFFFF  }
0x96: {  	s18 =	sld [smem:$0x11];
	(tm) =	ssettm $0x1  }
0x97: {  	s19 =	sld [smem:$0x3FFB];
	_ =	sdelay $0x3  }
0x98: {  	_ =	strace s19  }
0x99: {  	s5 =	sld [smem:$0x3FFC];
	_ =	sdelay $0x3  }
0x9a: {  	_ =	strace s5  }
0x9b: {  	s5 =	sld [smem:$0x3FFD];
	_ =	sdelay $0x3  }
0x9c: {  	_ =	strace s5  }
0x9d: {  	_ =	strace $0x8FFFFFFF  }
0x9e: {  	s20 =	sld [smem:$0x3FDB];
	_ =	sdelay $0x1  }
0x9f: {  	s6 =	simm.s32 $_scs_section_size  }
0xa0: {  	s7 =	simm.s32 $_size__tile_overlayer_lowered;
	s8 =	simm.s32 $_tile_overlayer_lowered  }
0xa1: {  	s23 =	simm.s32 $0x1BFF;
	s22 =	sshll.u32 s8, $0x1;
	s5 =	sadd.s32 s6, s20  }
0xa2: {  	s9 =	simm.s32 $0x0;
	s21 =	sshll.u32 s7, $0x1;
	s7 =	sadd.s32 s22, s5  }
0xa3: {  	[timem:s9], [sflag:s23] =	dma.local [hbm:s7], s21  }
0xa4: {  	_ =	swait.ge [sflag:s23], s21  }
0xa5: {  	s6 =	ssub.s32 $0x0, s21;
	[sflag:s23] =	ssyncset.done $0x0  }
0xa6: {  	[sflag:s23] =	ssyncadd.s32 s6;
	_ =	sdelay $0x1  }
0xa7: {  	s24 =	simm.s32 $0x1B8B  }
0xa8: {  	_ =	swait.ge [sflag:s24], $0x1  }
0xa9: {  	[sflag:s24] =	ssyncset.done $0x0  }
0xaa: {  	s25 =	simm.s32 $0x1B8E;
	[sflag:s24] =	ssyncadd.s32 $0xFFFFFFFF  }
0xab: {  	s26 =	simm.s32 $execute0_lowered;
	[smem:$0x3FD2] =	sst s25  }
0xac: {  	s6 =	sshll.u32 s26, $0x1;
	_ =	strace $0x80000046;
	[dreg:$0x1] =	wrdreg $0xFFFFFFFF  }
0xad: {  	s28 =	simm.s32 $_size_execute0_lowered;
	s5 =	sadd.s32 s5, s6;
	[dreg:$0x0] =	wrdreg $0x0  }
0xae: {  	s6 =	sshll.u32 s28, $0x1;
	[dreg:$0x2] =	wrdreg s5  }
0xaf: {  	[dreg:$0x3] =	wrdreg s6  }
0xb0: {  	[dreg:$0x4] =	wrdreg $0xC0  }
0xb1: {  	_ =	task [dreg:s9], $0x5FFFF  }
0xb2: {  	[dreg:$0x1] =	wrdreg $0xFFFFFFFF  }
0xb3: {  	[dreg:$0x0] =	wrdreg $0x60  }
0xb4: {  	[dreg:$0x2] =	wrdreg s16  }
0xb5: {  	[dreg:$0x3] =	wrdreg s18  }
0xb6: {  	[dreg:$0x4] =	wrdreg s17  }
0xb7: {  	[dreg:$0x5] =	wrdreg $0x9  }
0xb8: {  	_ =	task.clear_ibuf [dreg:s9], $0x6FFFF;
	_ =	strace $0x90000046  }
0xb9: {  	s29 =	simm.s32 $0x9;
	_ =	strace $0x80000048  }
0xba: {  	_ =	swait.ge [sflag:s29], $0x1  }
0xbb: {  	[sflag:s29] =	ssyncadd.s32 $0xFFFFFFFF  }
0xbc: {  	_ =	strace $0x90000048  }
0xbd: {  	_ =	sfence  }
0xbe: {  	s30 =	sld [smem:$0x0];
	_ =	sdelay $0x2  }
0xbf: {  	s31 =	sshll.u32 s1, $0xD;
	s1 =	sshrl.u32 s1, $0x2  }
0xc0: {  	s3 =	sand.u32 $0x4000, s31;
	s1 =	sadd.s32 s1, s30  }
0xc1: {  	s0 =	sor.u32 s3, s0;
	s1 =	sshll.u32 s1, $0x11  }
0xc2: {  	s0 =	sor.u32 s1, s0  }
0xc3: {  	s0 =	sadd.s32 $0x8F2B, s0  }
0xc4: {  	[sflag:s0] =	ssyncadd.remote.s32 $0x1  }
0xc5: {  	_ =	sfence.sel $0xFFFF  }
0xc6: {  	[dreg:$0x0] =	wrdreg $0xFFFFFFFF;
	(pc) =	sbr.abs _section_cstart, $3  }
0xc7: {  	[dreg:$0x1] =	wrdreg $0xFFFFFFFF  }
0xc8: {  	_ =	task.clear_ibuf [dreg:s9], $0x2FFFF;
	_ =	strace $0x9FFFFFFF  }
0xc9: {  	(tm) =	ssettm $0x7FFFFFFF  }
tec
execute0_lowered:
.L_overlay_start_1:
0x0: {  	(tag) =	ssettag $0x1  }
0x1: {  	s0 =	rddreg [dreg:$0x0]  }
0x2: {  	s2 =	rddreg [dreg:$0x1];
	s4 =	srdreg.scid  }
0x3: {  	s3 =	rddreg [dreg:$0x2];
	s1 =	stileid.u32;
	s13 =	simm.s32 $0x5  }
0x4: {  	s14 =	simm.s32 $0x200;
	s15 =	simm.s32 $0x400;
	s16 =	simm.s32 $0x800  }
0x5: {  	s17 =	simm.s32 $0x4800;
	s18 =	simm.s32 $0x1;
	s19 =	simm.s32 $0x8800  }
0x6: {  	s20 =	simm.s32 $0x2;
	s21 =	simm.s32 $0x4;
	s22 =	simm.s32 $0xC800  }
0x7: {  	s23 =	simm.s32 $0x3;
	s24 =	simm.s32 $0x0;
	s5 =	sand.u32 $0x1, s4  }
0x8: {  	s6 =	sshll.u32 s1, $0xA;
	s4 =	simm.s32 $0x0;
	s10 =	sadd.s32 $0x40, s3  }
.Ltmp0:
0x9: {  	s7 =	sshll.u32 s5, $0x9;
	s8 =	ssub.s32 $0x2, s5;
	(pc) =	sbr.rel .LBB2_1-.Ltmp0, $4  }
0xa: {  	[smem:$0x7FF] =	sst s4;
	s9 =	sor.u32 s7, s6;
	s31 =	sshrl.u32 s8, $0x1  }
0xb: {  	_ =	strace $0x80000047;
	s5 =	sshll.u32 s9, $0x9;
	s12 =	ssub.s32 s8, s31  }
0xc: {  	s8 =	sshrl.u32 s9, $0x3;
	s6 =	sadd.s32 s0, s5;
	s12 =	smax.u32 s12, $0x1  }
0xd: {  	s7 =	sadd.s32 $0x40, s6;
	s9 =	sadd.s32 $0x1000, s6;
	s11 =	sadd.s32 $0x1040, s6  }
.LBB2_12:
0xe: {  	s24 =	sadd.s32 $0x1, s24  }
0xf: {  	_ =	swait.ge [sflag:s23], $0x4000;
	p0 =	sne.s32 s24, s12  }
.Ltmp1:
0x10: {  	[sflag:s23] =	ssyncset.done $0x0;
	(pc) =	sbr.rel @!p0 .LBB2_13-.Ltmp1, $4  }
0x11: {  	[sflag:s23] =	ssyncadd.s32 $0xFFFFC000  }
0x12: {  	_ =	swait.ge [sflag:s21], $0x4000  }
0x13: {  	[sflag:s21] =	ssyncset.done $0x0  }
0x14: {  	[sflag:s21] =	ssyncadd.s32 $0xFFFFC000  }
.LBB2_1:
0x15: {  	[tilespmem:s4], [sflag:$0x5] =	stream.linear.gather [hbm4b:s2+s4], $0x800, $0x38;
	[tilespmem:$0x10800] =	vst v63  }
0x16: {  	_ =	swait.ge [sflag:s13], $0x800  }
0x17: {  	[sflag:s13] =	ssyncset.done $0x0  }
0x18: {  	[sflag:s13] =	ssyncadd.s32 $0xFFFFF800  }
0x19: {  	[tilespmem:s16], [sflag:$0x1] =	stream.strided.gather [hbm4b:s6+s14], $0x4000, s15, s14, $0x38;
	[tilespmem:$0x10800] =	vst v63  }
0x1a: {  	s25 =	simm.s32 $0x0  }
0x1b: {  	[tilespmem:s17], [sflag:$0x2] =	stream.strided.gather [hbm4b:s7+s14], $0x4000, s15, s14, $0x38;
	[tilespmem:$0x10800] =	vst v63  }
.LBB2_2:
0x1c: {  	_ =	swait.ge [sflag:s18], $0x4000  }
0x1d: {  	p0 =	seq.s32 s25, $0x0;
	[sflag:s18] =	ssyncset.done $0x0  }
0x1e: {  	s0 =	simm.s32 @!p0 $0x3;
	[sflag:s18] =	ssyncadd.s32 $0xFFFFC000  }
0x1f: {  	_ =	swait.ge @!p0 [sflag:s0], $0x4000  }
0x20: {  	[sflag:s0] =	ssyncset.done @!p0 $0x0  }
0x21: {  	s26 =	simm.s32 $0x20;
	[sflag:s0] =	ssyncadd.s32 @!p0 $0xFFFFC000  }
0x22: {  	v0 =	vld [tilespmem:s26+$0x10];
	_ =	sdelay $0x2  }
0x23: {  	v4 =	vld [tilespmem:s26+$0xFFFFFFE0]  }
0x24: {  	v1 =	vld [tilespmem:s26+$0xFFFFFFF0]  }
0x25: {  	v2 =	vshll.u32 v0, $0x2  }
0x26: {  	v3 =	vand.u32 $0x7F, v0;
	v2 =	vand.u32 $0x3FE00, v2  }
0x27: {  	v7 =	vld [tilespmem:s26+$0x0];
	v8 =	vor.u32 v3, v2  }
0x28: {  	v5 =	vand.u32 $0x7F, v4;
	v3 =	vshll.u32 v4, $0x2  }
0x29: {  	v6 =	vand.u32 $0x7F, v1;
	v2 =	vshll.u32 v1, $0x2;
	v3 =	vand.u32 $0x3FE00, v3  }
0x2a: {  	v11 =	vshrl.u32 v4, $0xE;
	v2 =	vand.u32 $0x3FE00, v2;
	v3 =	vor.u32 v5, v3  }
0x2b: {  	v5 =	vshrl.u32 v0, $0x10;
	v0 =	vshrl.u32 v0, $0xE;
	v2 =	vor.u32 v6, v2  }
0x2c: {  	v6 =	vshll.u32 v7, $0x2;
	v5 =	vand.u32 $0x7F, v5;
	v0 =	vand.u32 $0x3FE00, v0;
	v9 =	vld.idx.msk [tilespmem:v8+s16+$0x0], $0xffff  }
0x2d: {  	v10 =	vor.u32 v5, v0;
	v0 =	vand.u32 $0x3FE00, v6;
	v5 =	vand.u32 $0x7F, v7  }
0x2e: {  	v6 =	vshrl.u32 v4, $0x10;
	v4 =	vor.u32 v5, v0;
	v0 =	vshrl.u32 v1, $0x10  }
0x2f: {  	v1 =	vshrl.u32 v1, $0xE;
	v5 =	vand.u32 $0x7F, v6;
	v6 =	vand.u32 $0x3FE00, v11;
	v12 =	vld.idx.msk [tilespmem:v3+s16+$0x0], $0xffff  }
0x30: {  	s28 =	simm.s32 $0x8900;
	v0 =	vand.u32 $0x7F, v0;
	v1 =	vand.u32 $0x3FE00, v1;
	v6 =	vor.u32 v5, v6;
	v11 =	vld.idx.msk [tilespmem:v2+s16+$0x0], $0xffff  }
0x31: {  	v5 =	vor.u32 v0, v1;
	[tilespmem:s28+$0xFFFFFF60] =	vst v9  }
0x32: {  	v1 =	vshrl.u32 v7, $0x10;
	v7 =	vshrl.u32 v7, $0xE;
	v0 =	vld.idx.msk [tilespmem:v10+s16+$0x0], $0xffff  }
0x33: {  	v1 =	vand.u32 $0x7F, v1;
	v7 =	vand.u32 $0x3FE00, v7;
	v9 =	vor.u32 $0x80, v8;
	v13 =	vld.idx.msk [tilespmem:v4+s16+$0x0], $0xffff  }
0x34: {  	v7 =	vor.u32 v1, v7;
	[tilespmem:s28+$0xFFFFFF00] =	vst v12  }
0x35: {  	[tilespmem:s28+$0xFFFFFF20] =	vst v11;
	v1 =	vld.idx.msk [tilespmem:v6+s16+$0x0], $0xffff  }
0x36: {  	v12 =	vld.idx.msk [tilespmem:v5+s16+$0x0], $0xffff  }
0x37: {  	v11 =	vor.u32 $0x80, v3;
	[tilespmem:s28+$0xFFFFFF70] =	vst v0  }
0x38: {  	[tilespmem:s28+$0xFFFFFF40] =	vst v13;
	v0 =	vor.u32 $0x80, v2;
	v9 =	vld.idx.msk [tilespmem:v9+s16+$0x0], $0xffff  }
0x39: {  	s26 =	simm.s32 $0x60;
	v13 =	vor.u32 $0x80, v10;
	v14 =	vld.idx.msk [tilespmem:v7+s16+$0x0], $0xffff  }
0x3a: {  	v17 =	vld [tilespmem:s26+$0xFFFFFFE0];
	v15 =	vor.u32 $0x80, v4;
	[tilespmem:s28+$0xFFFFFF10] =	vst v1  }
0x3b: {  	[tilespmem:s28+$0xFFFFFF30] =	vst v12;
	v12 =	vld [tilespmem:s26+$0x10]  }
0x3c: {  	v1 =	vld.idx.msk [tilespmem:v11+s16+$0x0], $0xffff  }
0x3d: {  	v0 =	vld.idx.msk [tilespmem:v0+s16+$0x0], $0xffff;
	[tilespmem:s28+$0xFFFFFFE0] =	vst v9  }
0x3e: {  	[tilespmem:s28+$0xFFFFFF50] =	vst v14;
	v14 =	vor.u32 $0x80, v6;
	v9 =	vld.idx.msk [tilespmem:v13+s16+$0x0], $0xffff  }
0x3f: {  	v11 =	vor.u32 $0x100, v8;
	v13 =	vld.idx.msk [tilespmem:v15+s16+$0x0], $0xffff  }
0x40: {  	v16 =	vor.u32 $0x80, v5;
	v15 =	vld [tilespmem:s26+$0xFFFFFFF0]  }
0x41: {  	v24 =	vshll.u32 v17, $0x2  }
0x42: {  	v18 =	vld [tilespmem:s26+$0x0];
	v25 =	vand.u32 $0x7F, v17;
	v24 =	vand.u32 $0x3FE00, v24;
	v19 =	vor.u32 $0x80, v7;
	[tilespmem:s28+$0xFFFFFF80] =	vst v1  }
0x43: {  	v25 =	vor.u32 v25, v24;
	v20 =	vshll.u32 v12, $0x2;
	v14 =	vld.idx.msk [tilespmem:v14+s16+$0x0], $0xffff;
	[tilespmem:s28+$0xFFFFFFF0] =	vst v9  }
0x44: {  	v1 =	vand.u32 $0x7F, v12;
	v20 =	vand.u32 $0x3FE00, v20;
	[tilespmem:s28+$0xFFFFFFA0] =	vst v0;
	v9 =	vor.u32 $0x100, v3;
	v11 =	vld.idx.msk [tilespmem:v11+s16+$0x0], $0xffff  }
0x45: {  	v21 =	vor.u32 $0x100, v10;
	v0 =	vor.u32 v1, v20;
	v1 =	vld.idx.msk [tilespmem:v16+s16+$0x0], $0xffff;
	v16 =	vshll.u32 v15, $0x2  }
0x46: {  	[tilespmem:s28+$0xFFFFFFC0] =	vst v13;
	v26 =	vand.u32 $0x7F, v15;
	v16 =	vand.u32 $0x3FE00, v16  }
0x47: {  	v22 =	vor.u32 $0x100, v2;
	v19 =	vld.idx.msk [tilespmem:v19+s16+$0x0], $0xffff;
	v16 =	vor.u32 v26, v16  }
0x48: {  	v23 =	vor.u32 $0x100, v4;
	v24 =	vld.idx.msk [tilespmem:v25+s16+$0x0], $0xffff;
	v8 =	vor.u32 $0x180, v8;
	v13 =	vshll.u32 v18, $0x2;
	[tilespmem:s28+$0xFFFFFF90] =	vst v14  }
0x49: {  	v20 =	vor.u32 $0x100, v6;
	v9 =	vld.idx.msk [tilespmem:v9+s16+$0x0], $0xffff;
	[tilespmem:s28+$0x60] =	vst v11;
	v11 =	vand.u32 $0x3FE00, v13;
	v13 =	vand.u32 $0x7F, v18  }
0x4a: {  	v14 =	vshrl.u32 v17, $0xE;
	v21 =	vld.idx.msk [tilespmem:v21+s16+$0x0], $0xffff;
	v26 =	vor.u32 v13, v11;
	v11 =	vshrl.u32 v12, $0x10  }
0x4b: {  	[tilespmem:s28+$0xFFFFFFB0] =	vst v1;
	v14 =	vand.u32 $0x3FE00, v14;
	v13 =	vld.idx.msk [tilespmem:v0+s16+$0x0], $0xffff;
	v12 =	vshrl.u32 v12, $0xE;
	v1 =	vand.u32 $0x7F, v11  }
0x4c: {  	[tilespmem:s28+$0xFFFFFFD0] =	vst v19;
	v19 =	vld.idx.msk [tilespmem:v16+s16+$0x0], $0xffff;
	v11 =	vand.u32 $0x3FE00, v12;
	v12 =	vshrl.u32 v17, $0x10;
	v17 =	vshrl.u32 v15, $0x10  }
0x4d: {  	v15 =	vshrl.u32 v15, $0xE;
	v1 =	vor.u32 v1, v11;
	v11 =	vld.idx.msk [tilespmem:v22+s16+$0x0], $0xffff;
	v12 =	vand.u32 $0x7F, v12  }
0x4e: {  	v17 =	vand.u32 $0x7F, v17;
	v15 =	vand.u32 $0x3FE00, v15;
	v14 =	vor.u32 v12, v14;
	[tilespmem:s28+$0x0] =	vst v9;
	v9 =	vld.idx.msk [tilespmem:v23+s16+$0x0], $0xffff  }
0x4f: {  	s29 =	simm.s32 $0x8B00;
	v22 =	vshrl.u32 v18, $0x10;
	v18 =	vshrl.u32 v18, $0xE;
	v15 =	vor.u32 v17, v15;
	v12 =	vld.idx.msk [tilespmem:v26+s16+$0x0], $0xffff;
	[tilespmem:s28+$0x70] =	vst v21  }
0x50: {  	v17 =	vand.u32 $0x3FE00, v18;
	v18 =	vor.u32 $0x100, v5;
	v21 =	vand.u32 $0x7F, v22;
	[tilespmem:s29+$0xFFFFFF60] =	vst v13;
	v8 =	vld.idx.msk [tilespmem:v8+s16+$0x0], $0xffff  }
0x51: {  	[tilespmem:s29+$0xFFFFFF20] =	vst v19;
	v19 =	vor.u32 $0x100, v7;
	v22 =	vor.u32 v21, v17;
	v17 =	vld.idx.msk [tilespmem:v20+s16+$0x0], $0xffff  }
0x52: {  	[tilespmem:s29+$0xFFFFFF00] =	vst v24;
	v13 =	vld.idx.msk [tilespmem:v1+s16+$0x0], $0xffff  }
0x53: {  	v10 =	vor.u32 $0x180, v10;
	[tilespmem:s28+$0x20] =	vst v11;
	v20 =	vld.idx.msk [tilespmem:v14+s16+$0x0], $0xffff  }
0x54: {  	v11 =	vor.u32 $0x80, v0;
	v21 =	vld.idx.msk [tilespmem:v15+s16+$0x0], $0xffff;
	[tilespmem:s28+$0x40] =	vst v9  }
0x55: {  	v9 =	vor.u32 $0x180, v3;
	v28 =	vld.idx.msk [tilespmem:v18+s16+$0x0], $0xffff;
	[tilespmem:s29+$0xFFFFFF40] =	vst v12  }
0x56: {  	v12 =	vor.u32 $0x80, v25;
	v30 =	vld.idx.msk [tilespmem:v19+s16+$0x0], $0xffff;
	[tilespmem:s28+$0xE0] =	vst v8  }
0x57: {  	v24 =	vld.idx.msk [tilespmem:v22+s16+$0x0], $0xffff;
	v8 =	vor.u32 $0x80, v16;
	[tilespmem:s28+$0x10] =	vst v17  }
0x58: {  	[tilespmem:s29+$0xFFFFFF70] =	vst v13;
	v10 =	vld.idx.msk [tilespmem:v10+s16+$0x0], $0xffff;
	v13 =	vor.u32 $0x80, v26  }
0x59: {  	v31 =	vor.u32 $0x180, v2;
	v27 =	vld.idx.msk [tilespmem:v11+s16+$0x0], $0xffff;
	[tilespmem:s29+$0xFFFFFF10] =	vst v20  }
0x5a: {  	v32 =	vor.u32 $0x180, v4;
	v4 =	vor.u32 $0x180, v6;
	v29 =	vor.u32 $0x80, v1;
	[tilespmem:s29+$0xFFFFFF30] =	vst v21;
	v20 =	vld.idx.msk [tilespmem:v9+s16+$0x0], $0xffff  }
0x5b: {  	v2 =	vor.u32 $0x180, v5;
	v6 =	vor.u32 $0x180, v26;
	v5 =	vor.u32 $0x180, v25;
	[tilespmem:s28+$0x30] =	vst v28;
	v33 =	vld.idx.msk [tilespmem:v12+s16+$0x0], $0xffff  }
0x5c: {  	v3 =	vor.u32 $0x180, v7;
	v18 =	vor.u32 $0x80, v22;
	v7 =	vor.u32 $0x180, v16;
	v23 =	vld.idx.msk [tilespmem:v8+s16+$0x0], $0xffff;
	[tilespmem:s29+$0xFFFFFF50] =	vst v24  }
0x5d: {  	v19 =	vor.u32 $0x80, v14;
	v17 =	vor.u32 $0x80, v15;
	v11 =	vor.u32 $0x100, v26;
	[tilespmem:s28+$0x50] =	vst v30;
	v24 =	vld.idx.msk [tilespmem:v13+s16+$0x0], $0xffff  }
0x5e: {  	v9 =	vor.u32 $0x100, v15;
	v15 =	vor.u32 $0x180, v15;
	v26 =	vor.u32 $0x100, v0;
	v21 =	vld.idx.msk [tilespmem:v31+s16+$0x0], $0xffff;
	[tilespmem:s29+$0xFFFFFFE0] =	vst v27  }
0x5f: {  	s30 =	sadd.s32 s8, s25;
	v12 =	vor.u32 $0x100, v25;
	v8 =	vor.u32 $0x100, v22;
	[tilespmem:s28+$0xF0] =	vst v10;
	v13 =	vor.u32 $0x100, v16;
	v25 =	vld.idx.msk [tilespmem:v29+s16+$0x0], $0xffff  }
0x60: {  	s31 =	simm.s32 $0x40;
	s0 =	simm.s32 $0xA0;
	s26 =	sshll.u32 s25, $0xC;
	v10 =	vor.u32 $0x100, v14;
	v16 =	vor.u32 $0x180, v14;
	v14 =	vor.u32 $0x180, v22;
	v22 =	vld.idx.msk [tilespmem:v32+s16+$0x0], $0xffff;
	[tilespmem:s29+$0xFFFFFF80] =	vst v33  }
.LBB2_3:
0x61: {  	v27 =	vld [tilespmem:s0+$0x10];
	s31 =	sadd.s32 $0x40, s31;
	[tilespmem:s29+$0xFFFFFFA0] =	vst v23  }
0x62: {  	v23 =	vld [tilespmem:s0+$0xFFFFFFF0];
	p1 =	slt.u32 s31, $0x7C0;
	[tilespmem:s29+$0xFFFFFFC0] =	vst v24  }
0x63: {  	v24 =	vld [tilespmem:s0+$0x0];
	[tilespmem:s28+$0x80] =	vst v20  }
0x64: {  	v20 =	vld [tilespmem:s0+$0xFFFFFFE0];
	[tilespmem:s29+$0xFFFFFFF0] =	vst v25  }
0x65: {  	v25 =	vld.idx.msk [tilespmem:v26+s16+$0x0], $0xffff;
	[tilespmem:s28+$0xA0] =	vst v21  }
0x66: {  	v21 =	vshll.u32 v27, $0x2;
	v19 =	vld.idx.msk [tilespmem:v19+s16+$0x0], $0xffff;
	[tilespmem:s28+$0xC0] =	vst v22  }
0x67: {  	v26 =	vor.u32 $0x100, v1;
	v22 =	vand.u32 $0x7F, v27;
	v21 =	vand.u32 $0x3FE00, v21;
	v17 =	vld.idx.msk [tilespmem:v17+s16+$0x0], $0xffff  }
0x68: {  	v28 =	vshll.u32 v23, $0x2;
	v29 =	vshll.u32 v24, $0x2;
	v21 =	vor.u32 v22, v21;
	v18 =	vld.idx.msk [tilespmem:v18+s16+$0x0], $0xffff  }
0x69: {  	v28 =	vand.u32 $0x3FE00, v28;
	v22 =	vshll.u32 v20, $0x2;
	v29 =	vand.u32 $0x3FE00, v29;
	v30 =	vld.idx.msk [tilespmem:v4+s16+$0x0], $0xffff;
	v4 =	vmovc v16  }
0x6a: {  	v31 =	vand.u32 $0x7F, v23;
	v16 =	vand.u32 $0x7F, v20;
	v22 =	vand.u32 $0x3FE00, v22;
	v32 =	vld.idx.msk [tilespmem:v2+s16+$0x0], $0xffff;
	v2 =	vmovc v15  }
0x6b: {  	v15 =	vor.u32 v16, v22;
	v16 =	vor.u32 v31, v28;
	v22 =	vand.u32 $0x7F, v24;
	[tilespmem:s29+$0x60] =	vst v25;
	v25 =	vld.idx.msk [tilespmem:v3+s16+$0x0], $0xffff  }
0x6c: {  	v28 =	vshrl.u32 v20, $0x10;
	v20 =	vshrl.u32 v20, $0xE;
	v3 =	vmovc v14;
	v22 =	vor.u32 v22, v29;
	[tilespmem:s29+$0xFFFFFF90] =	vst v19;
	v19 =	vld.idx.msk [tilespmem:v26+s16+$0x0], $0xffff  }
0x6d: {  	v14 =	vshrl.u32 v23, $0x10;
	v26 =	vshrl.u32 v27, $0x10;
	v27 =	vshrl.u32 v27, $0xE;
	v29 =	vld.idx.msk [tilespmem:v21+s16+$0x0], $0xffff;
	[tilespmem:s29+$0xFFFFFFB0] =	vst v17  }
0x6e: {  	v17 =	vand.u32 $0x7F, v26;
	v26 =	vand.u32 $0x3FE00, v27;
	v12 =	vld.idx.msk [tilespmem:v12+s16+$0x0], $0xffff;
	[tilespmem:s29+$0xFFFFFFD0] =	vst v18;
	v18 =	vor.u32 $0x180, v0;
	v0 =	vmovc v21  }
0x6f: {  	v21 =	vshrl.u32 v23, $0xE;
	v23 =	vshrl.u32 v24, $0x10;
	v26 =	vor.u32 v17, v26;
	v13 =	vld.idx.msk [tilespmem:v13+s16+$0x0], $0xffff;
	[tilespmem:s28+$0x90] =	vst v30  }
0x70: {  	v20 =	vand.u32 $0x3FE00, v20;
	v17 =	vand.u32 $0x7F, v28;
	v24 =	vshrl.u32 v24, $0xE;
	v27 =	vld.idx.msk [tilespmem:v15+s16+$0x0], $0xffff;
	[tilespmem:s28+$0xB0] =	vst v32  }
0x71: {  	v14 =	vand.u32 $0x7F, v14;
	v21 =	vand.u32 $0x3FE00, v21;
	v23 =	vand.u32 $0x7F, v23;
	v28 =	vld.idx.msk [tilespmem:v16+s16+$0x0], $0xffff;
	[tilespmem:s28+$0xD0] =	vst v25;
	s28 =	smov.u32 s29  }
0x72: {  	v20 =	vor.u32 v17, v20;
	v17 =	vand.u32 $0x3FE00, v24;
	v14 =	vor.u32 v14, v21;
	s29 =	sadd.s32 $0x200, s29;
	v21 =	vld.idx.msk [tilespmem:v22+s16+$0x0], $0xffff;
	[tilespmem:s28+$0x70] =	vst v19  }
0x73: {  	v24 =	vor.u32 $0x80, v15;
	v23 =	vor.u32 v23, v17;
	v25 =	vor.u32 $0x80, v16;
	[tilespmem:s29+$0xFFFFFF60] =	vst v29;
	v29 =	vld.idx.msk [tilespmem:v18+s16+$0x0], $0xffff  }
0x74: {  	v30 =	vor.u32 $0x80, v22;
	v17 =	vor.u32 $0x80, v14;
	v19 =	vor.u32 $0x80, v20;
	v31 =	vld.idx.msk [tilespmem:v26+s16+$0x0], $0xffff;
	[tilespmem:s28+$0x0] =	vst v12  }
0x75: {  	v33 =	vor.u32 $0x180, v1;
	v1 =	vmovc v26;
	v18 =	vor.u32 $0x80, v23;
	v12 =	vor.u32 $0x100, v15;
	[tilespmem:s28+$0x20] =	vst v13;
	v32 =	vld.idx.msk [tilespmem:v11+s16+$0x0], $0xffff  }
0x76: {  	v26 =	vor.u32 $0x80, v0;
	v13 =	vor.u32 $0x100, v16;
	v11 =	vor.u32 $0x100, v22;
	[tilespmem:s29+$0xFFFFFF00] =	vst v27;
	v27 =	vld.idx.msk [tilespmem:v10+s16+$0x0], $0xffff  }
0x77: {  	v35 =	vor.u32 $0x100, v23;
	v10 =	vor.u32 $0x100, v20;
	v34 =	vld.idx.msk [tilespmem:v20+s16+$0x0], $0xffff;
	[tilespmem:s29+$0xFFFFFF20] =	vst v28;
	v28 =	vor.u32 $0x100, v14  }
0x78: {  	v36 =	vor.u32 $0x180, v15;
	v38 =	vor.u32 $0x180, v16;
	v39 =	vor.u32 $0x180, v22;
	v37 =	vld.idx.msk [tilespmem:v14+s16+$0x0], $0xffff;
	[tilespmem:s29+$0xFFFFFF40] =	vst v21  }
0x79: {  	v15 =	vor.u32 $0x180, v14;
	v16 =	vor.u32 $0x180, v20;
	v14 =	vor.u32 $0x180, v23;
	v20 =	vld.idx.msk [tilespmem:v23+s16+$0x0], $0xffff;
	[tilespmem:s28+$0xE0] =	vst v29  }
0x7a: {  	[tilespmem:s29+$0xFFFFFF70] =	vst v31;
	v21 =	vld.idx.msk [tilespmem:v33+s16+$0x0], $0xffff  }
0x7b: {  	v22 =	vld.idx.msk [tilespmem:v26+s16+$0x0], $0xffff;
	[tilespmem:s28+$0x40] =	vst v32  }
0x7c: {  	[tilespmem:s28+$0x10] =	vst v27;
	v26 =	vld.idx.msk [tilespmem:v9+s16+$0x0], $0xffff;
	v9 =	vmov v28  }
0x7d: {  	v27 =	vor.u32 $0x80, v1;
	[tilespmem:s29+$0xFFFFFF10] =	vst v34;
	v28 =	vld.idx.msk [tilespmem:v8+s16+$0x0], $0xffff;
	v8 =	vmov v35  }
0x7e: {  	v29 =	vld.idx.msk [tilespmem:v24+s16+$0x0], $0xffff;
	[tilespmem:s29+$0xFFFFFF30] =	vst v37  }
0x7f: {  	v23 =	vld.idx.msk [tilespmem:v25+s16+$0x0], $0xffff;
	[tilespmem:s29+$0xFFFFFF50] =	vst v20  }
.Ltmp2:
0x80: {  	v24 =	vld.idx.msk [tilespmem:v30+s16+$0x0], $0xffff;
	[tilespmem:s28+$0xF0] =	vst v21;
	(pc) =	sbr.rel @p1 .LBB2_3-.Ltmp2, $4  }
0x81: {  	[tilespmem:s29+$0xFFFFFFE0] =	vst v22;
	v20 =	vld.idx.msk [tilespmem:v5+s16+$0x0], $0xffff;
	v5 =	vmov v36  }
0x82: {  	v25 =	vld.idx.msk [tilespmem:v27+s16+$0x0], $0xffff;
	[tilespmem:s28+$0x30] =	vst v26  }
0x83: {  	v21 =	vld.idx.msk [tilespmem:v7+s16+$0x0], $0xffff;
	[tilespmem:s28+$0x50] =	vst v28;
	v7 =	vmov v38  }
0x84: {  	s0 =	sadd.s32 $0x40, s0;
	v26 =	vor.u32 $0x100, v0;
	[tilespmem:s29+$0xFFFFFF80] =	vst v29;
	v22 =	vld.idx.msk [tilespmem:v6+s16+$0x0], $0xffff;
	v6 =	vmov v39  }
0x85: {  	_ =	sdelay $0x3  }
0x86: {  	[tilespmem:s29+$0xFFFFFFA0] =	vst v23;
	v19 =	vld.idx.msk [tilespmem:v19+s16+$0x0], $0xffff  }
0x87: {  	[tilespmem:s29+$0xFFFFFFC0] =	vst v24;
	v17 =	vld.idx.msk [tilespmem:v17+s16+$0x0], $0xffff  }
0x88: {  	v18 =	vld.idx.msk [tilespmem:v18+s16+$0x0], $0xffff;
	_ =	sdelay $0x1  }
0x89: {  	[tilespmem:s29+$0xFFFFFFF0] =	vst v25  }
0x8a: {  	v57 =	vld.idx.msk [tilespmem:v26+s16+$0x0], $0xffff;
	[tilespmem:s29+$0xFFFFFF90] =	vst v19  }
0x8b: {  	v58 =	vor.u32 $0x100, v1;
	[tilespmem:s29+$0xFFFFFFB0] =	vst v17;
	v12 =	vld.idx.msk [tilespmem:v12+s16+$0x0], $0xffff  }
0x8c: {  	[tilespmem:s29+$0xFFFFFFD0] =	vst v18;
	v13 =	vld.idx.msk [tilespmem:v13+s16+$0x0], $0xffff  }
0x8d: {  	v11 =	vld.idx.msk [tilespmem:v11+s16+$0x0], $0xffff;
	_ =	sdelay $0x1  }
0x8e: {  	[tilespmem:s29+$0x60] =	vst v57  }
0x8f: {  	v59 =	vld.idx.msk [tilespmem:v58+s16+$0x0], $0xffff;
	[tilespmem:s29+$0x0] =	vst v12  }
0x90: {  	v0 =	vor.u32 $0x180, v0;
	[tilespmem:s29+$0x20] =	vst v13;
	v10 =	vld.idx.msk [tilespmem:v10+s16+$0x0], $0xffff  }
0x91: {  	[tilespmem:s29+$0x40] =	vst v11;
	v9 =	vld.idx.msk [tilespmem:v9+s16+$0x0], $0xffff  }
0x92: {  	[tilespmem:s28+$0x80] =	vst v20;
	v8 =	vld.idx.msk [tilespmem:v8+s16+$0x0], $0xffff  }
0x93: {  	[tilespmem:s28+$0xA0] =	vst v21  }
0x94: {  	v4 =	vld.idx.msk [tilespmem:v4+s16+$0x0], $0xffff;
	[tilespmem:s29+$0x70] =	vst v59  }
0x95: {  	v0 =	vld.idx.msk [tilespmem:v0+s16+$0x0], $0xffff;
	[tilespmem:s29+$0x10] =	vst v10  }
0x96: {  	v60 =	vor.u32 $0x180, v1;
	v5 =	vld.idx.msk [tilespmem:v5+s16+$0x0], $0xffff;
	[tilespmem:s29+$0x30] =	vst v9  }
0x97: {  	[tilespmem:s29+$0x50] =	vst v8;
	v7 =	vld.idx.msk [tilespmem:v7+s16+$0x0], $0xffff  }
0x98: {  	[tilespmem:s28+$0xC0] =	vst v22;
	v6 =	vld.idx.msk [tilespmem:v6+s16+$0x0], $0xffff  }
0x99: {  	v2 =	vld.idx.msk [tilespmem:v2+s16+$0x0], $0xffff;
	[tilespmem:s28+$0x90] =	vst v4  }
0x9a: {  	v3 =	vld.idx.msk [tilespmem:v3+s16+$0x0], $0xffff;
	[tilespmem:s29+$0xE0] =	vst v0  }
0x9b: {  	v0 =	vld.idx.msk [tilespmem:v60+s16+$0x0], $0xffff;
	[tilespmem:s29+$0x80] =	vst v5  }
0x9c: {  	[tilespmem:s29+$0xA0] =	vst v7;
	v61 =	vld.idx.msk [tilespmem:v16+s16+$0x0], $0xffff  }
0x9d: {  	[tilespmem:s29+$0xC0] =	vst v6;
	v62 =	vld.idx.msk [tilespmem:v15+s16+$0x0], $0xffff  }
0x9e: {  	[tilespmem:s28+$0xB0] =	vst v2;
	v63 =	vld.idx.msk [tilespmem:v14+s16+$0x0], $0xffff  }
0x9f: {  	p1 =	sne.s32 s25, $0x3F;
	[tilespmem:s28+$0xD0] =	vst v3  }
.Ltmp3:
0xa0: {  	[tilespmem:s29+$0xF0] =	vst v0;
	(pc) =	sbr.rel @p1 .LBB2_6-.Ltmp3, $4  }
0xa1: {  	[tilespmem:s29+$0x90] =	vst v61  }
0xa2: {  	s0 =	sshll.u32 s30, $0xC;
	[tilespmem:s29+$0xB0] =	vst v62  }
0xa3: {  	s0 =	sadd.s32 s3, s0;
	[tilespmem:s29+$0xD0] =	vst v63  }
0xa4: {  	[hbm4b:s0+s14] =	stream.strided.scatter [tilespmem:s19], [sflag:$0x3], $0x4000, s15, s14, $0x38;
	[tilespmem:$0x10800] =	vst v63  }
.Ltmp4:
0xa5: {  	(pc) =	sbr.rel .LBB2_7-.Ltmp4, $4  }
0xa6: {  	_ = 	snop  }
0xa7: {  	_ =	swait.ge [sflag:s20], $0x4000  }
0xa8: {  	[sflag:s20] =	ssyncset.done $0x0  }
0xa9: {  	[sflag:s20] =	ssyncadd.s32 $0xFFFFC000  }
.LBB2_6:
.Ltmp5:
0xaa: {  	s0 =	sadd.s32 s26, s9;
	(pc) =	sbr.rel @p0 .LBB2_8-.Ltmp5, $4  }
0xab: {  	[tilespmem:s16], [sflag:$0x1] =	stream.strided.gather [hbm4b:s0+s14], $0x4000, s15, s14, $0x38;
	[tilespmem:$0x10800] =	vst v63  }
0xac: {  	_ =	swait.ge [sflag:s20], $0x4000  }
0xad: {  	[sflag:s20] =	ssyncset.done $0x0  }
0xae: {  	[sflag:s20] =	ssyncadd.s32 $0xFFFFC000  }
.LBB2_7:
0xaf: {  	_ =	swait.ge [sflag:s21], $0x4000  }
0xb0: {  	[sflag:s21] =	ssyncset.done $0x0  }
0xb1: {  	[sflag:s21] =	ssyncadd.s32 $0xFFFFC000  }
.LBB2_8:
0xb2: {  	s0 =	simm.s32 $0x20  }
0xb3: {  	v0 =	vld [tilespmem:s0+$0x10];
	_ =	sdelay $0x2  }
0xb4: {  	v4 =	vld [tilespmem:s0+$0xFFFFFFE0]  }
0xb5: {  	v1 =	vld [tilespmem:s0+$0xFFFFFFF0]  }
0xb6: {  	v2 =	vshll.u32 v0, $0x2  }
0xb7: {  	v3 =	vand.u32 $0x7F, v0;
	v2 =	vand.u32 $0x3FE00, v2  }
0xb8: {  	v7 =	vld [tilespmem:s0+$0x0];
	v8 =	vor.u32 v3, v2  }
0xb9: {  	v5 =	vand.u32 $0x7F, v4;
	v3 =	vshll.u32 v4, $0x2  }
0xba: {  	v6 =	vand.u32 $0x7F, v1;
	v2 =	vshll.u32 v1, $0x2;
	v3 =	vand.u32 $0x3FE00, v3  }
0xbb: {  	v11 =	vshrl.u32 v4, $0xE;
	v2 =	vand.u32 $0x3FE00, v2;
	v3 =	vor.u32 v5, v3  }
0xbc: {  	v5 =	vshrl.u32 v0, $0x10;
	v0 =	vshrl.u32 v0, $0xE;
	v2 =	vor.u32 v6, v2  }
0xbd: {  	v6 =	vshll.u32 v7, $0x2;
	v5 =	vand.u32 $0x7F, v5;
	v0 =	vand.u32 $0x3FE00, v0;
	v9 =	vld.idx.msk [tilespmem:v8+s17+$0x0], $0xffff  }
0xbe: {  	v10 =	vor.u32 v5, v0;
	v0 =	vand.u32 $0x3FE00, v6;
	v5 =	vand.u32 $0x7F, v7  }
0xbf: {  	v6 =	vshrl.u32 v4, $0x10;
	v4 =	vor.u32 v5, v0;
	v0 =	vshrl.u32 v1, $0x10  }
0xc0: {  	v1 =	vshrl.u32 v1, $0xE;
	v5 =	vand.u32 $0x7F, v6;
	v6 =	vand.u32 $0x3FE00, v11;
	v12 =	vld.idx.msk [tilespmem:v3+s17+$0x0], $0xffff  }
0xc1: {  	s28 =	simm.s32 $0xC900;
	v0 =	vand.u32 $0x7F, v0;
	v1 =	vand.u32 $0x3FE00, v1;
	v6 =	vor.u32 v5, v6;
	v11 =	vld.idx.msk [tilespmem:v2+s17+$0x0], $0xffff  }
0xc2: {  	v5 =	vor.u32 v0, v1;
	[tilespmem:s28+$0xFFFFFF60] =	vst v9  }
0xc3: {  	v1 =	vshrl.u32 v7, $0x10;
	v7 =	vshrl.u32 v7, $0xE;
	v0 =	vld.idx.msk [tilespmem:v10+s17+$0x0], $0xffff  }
0xc4: {  	v1 =	vand.u32 $0x7F, v1;
	v7 =	vand.u32 $0x3FE00, v7;
	v9 =	vor.u32 $0x80, v8;
	v13 =	vld.idx.msk [tilespmem:v4+s17+$0x0], $0xffff  }
0xc5: {  	v7 =	vor.u32 v1, v7;
	[tilespmem:s28+$0xFFFFFF00] =	vst v12  }
0xc6: {  	[tilespmem:s28+$0xFFFFFF20] =	vst v11;
	v1 =	vld.idx.msk [tilespmem:v6+s17+$0x0], $0xffff  }
0xc7: {  	v12 =	vld.idx.msk [tilespmem:v5+s17+$0x0], $0xffff  }
0xc8: {  	v11 =	vor.u32 $0x80, v3;
	[tilespmem:s28+$0xFFFFFF70] =	vst v0  }
0xc9: {  	[tilespmem:s28+$0xFFFFFF40] =	vst v13;
	v0 =	vor.u32 $0x80, v2;
	v9 =	vld.idx.msk [tilespmem:v9+s17+$0x0], $0xffff  }
0xca: {  	s31 =	simm.s32 $0x60;
	v13 =	vor.u32 $0x80, v10;
	v14 =	vld.idx.msk [tilespmem:v7+s17+$0x0], $0xffff  }
0xcb: {  	v17 =	vld [tilespmem:s31+$0xFFFFFFE0];
	v15 =	vor.u32 $0x80, v4;
	[tilespmem:s28+$0xFFFFFF10] =	vst v1  }
0xcc: {  	[tilespmem:s28+$0xFFFFFF30] =	vst v12;
	v12 =	vld [tilespmem:s31+$0x10]  }
0xcd: {  	v1 =	vld.idx.msk [tilespmem:v11+s17+$0x0], $0xffff  }
0xce: {  	v0 =	vld.idx.msk [tilespmem:v0+s17+$0x0], $0xffff;
	[tilespmem:s28+$0xFFFFFFE0] =	vst v9  }
0xcf: {  	[tilespmem:s28+$0xFFFFFF50] =	vst v14;
	v14 =	vor.u32 $0x80, v6;
	v9 =	vld.idx.msk [tilespmem:v13+s17+$0x0], $0xffff  }
0xd0: {  	v11 =	vor.u32 $0x100, v8;
	v13 =	vld.idx.msk [tilespmem:v15+s17+$0x0], $0xffff  }
0xd1: {  	v16 =	vor.u32 $0x80, v5;
	v15 =	vld [tilespmem:s31+$0xFFFFFFF0]  }
0xd2: {  	v24 =	vshll.u32 v17, $0x2  }
0xd3: {  	v18 =	vld [tilespmem:s31+$0x0];
	v25 =	vand.u32 $0x7F, v17;
	v24 =	vand.u32 $0x3FE00, v24;
	v19 =	vor.u32 $0x80, v7;
	[tilespmem:s28+$0xFFFFFF80] =	vst v1  }
0xd4: {  	v25 =	vor.u32 v25, v24;
	v20 =	vshll.u32 v12, $0x2;
	v14 =	vld.idx.msk [tilespmem:v14+s17+$0x0], $0xffff;
	[tilespmem:s28+$0xFFFFFFF0] =	vst v9  }
0xd5: {  	v1 =	vand.u32 $0x7F, v12;
	v20 =	vand.u32 $0x3FE00, v20;
	[tilespmem:s28+$0xFFFFFFA0] =	vst v0;
	v9 =	vor.u32 $0x100, v3;
	v11 =	vld.idx.msk [tilespmem:v11+s17+$0x0], $0xffff  }
0xd6: {  	v21 =	vor.u32 $0x100, v10;
	v0 =	vor.u32 v1, v20;
	v1 =	vld.idx.msk [tilespmem:v16+s17+$0x0], $0xffff;
	v16 =	vshll.u32 v15, $0x2  }
0xd7: {  	[tilespmem:s28+$0xFFFFFFC0] =	vst v13;
	v26 =	vand.u32 $0x7F, v15;
	v16 =	vand.u32 $0x3FE00, v16  }
0xd8: {  	v22 =	vor.u32 $0x100, v2;
	v19 =	vld.idx.msk [tilespmem:v19+s17+$0x0], $0xffff;
	v16 =	vor.u32 v26, v16  }
0xd9: {  	v24 =	vld.idx.msk [tilespmem:v25+s17+$0x0], $0xffff;
	v23 =	vor.u32 $0x100, v4;
	v8 =	vor.u32 $0x180, v8;
	v13 =	vshll.u32 v18, $0x2;
	[tilespmem:s28+$0xFFFFFF90] =	vst v14  }
0xda: {  	v20 =	vor.u32 $0x100, v6;
	v9 =	vld.idx.msk [tilespmem:v9+s17+$0x0], $0xffff;
	[tilespmem:s28+$0x60] =	vst v11;
	v11 =	vand.u32 $0x3FE00, v13;
	v13 =	vand.u32 $0x7F, v18  }
0xdb: {  	v14 =	vshrl.u32 v17, $0xE;
	v21 =	vld.idx.msk [tilespmem:v21+s17+$0x0], $0xffff;
	v26 =	vor.u32 v13, v11;
	v11 =	vshrl.u32 v12, $0x10  }
0xdc: {  	[tilespmem:s28+$0xFFFFFFB0] =	vst v1;
	v14 =	vand.u32 $0x3FE00, v14;
	v13 =	vld.idx.msk [tilespmem:v0+s17+$0x0], $0xffff;
	v12 =	vshrl.u32 v12, $0xE;
	v1 =	vand.u32 $0x7F, v11  }
0xdd: {  	[tilespmem:s28+$0xFFFFFFD0] =	vst v19;
	v19 =	vld.idx.msk [tilespmem:v16+s17+$0x0], $0xffff;
	v11 =	vand.u32 $0x3FE00, v12;
	v12 =	vshrl.u32 v17, $0x10;
	v17 =	vshrl.u32 v15, $0x10  }
0xde: {  	v15 =	vshrl.u32 v15, $0xE;
	v1 =	vor.u32 v1, v11;
	v11 =	vld.idx.msk [tilespmem:v22+s17+$0x0], $0xffff;
	v12 =	vand.u32 $0x7F, v12  }
0xdf: {  	v17 =	vand.u32 $0x7F, v17;
	v15 =	vand.u32 $0x3FE00, v15;
	v14 =	vor.u32 v12, v14;
	[tilespmem:s28+$0x0] =	vst v9;
	v9 =	vld.idx.msk [tilespmem:v23+s17+$0x0], $0xffff  }
0xe0: {  	s29 =	simm.s32 $0xCB00;
	v22 =	vshrl.u32 v18, $0x10;
	v18 =	vshrl.u32 v18, $0xE;
	v15 =	vor.u32 v17, v15;
	v12 =	vld.idx.msk [tilespmem:v26+s17+$0x0], $0xffff;
	[tilespmem:s28+$0x70] =	vst v21  }
0xe1: {  	v17 =	vand.u32 $0x3FE00, v18;
	v18 =	vor.u32 $0x100, v5;
	v21 =	vand.u32 $0x7F, v22;
	[tilespmem:s29+$0xFFFFFF60] =	vst v13;
	v8 =	vld.idx.msk [tilespmem:v8+s17+$0x0], $0xffff  }
0xe2: {  	[tilespmem:s29+$0xFFFFFF20] =	vst v19;
	v19 =	vor.u32 $0x100, v7;
	v22 =	vor.u32 v21, v17;
	v17 =	vld.idx.msk [tilespmem:v20+s17+$0x0], $0xffff  }
0xe3: {  	[tilespmem:s29+$0xFFFFFF00] =	vst v24;
	v13 =	vld.idx.msk [tilespmem:v1+s17+$0x0], $0xffff  }
0xe4: {  	v10 =	vor.u32 $0x180, v10;
	[tilespmem:s28+$0x20] =	vst v11;
	v20 =	vld.idx.msk [tilespmem:v14+s17+$0x0], $0xffff  }
0xe5: {  	v11 =	vor.u32 $0x80, v0;
	v21 =	vld.idx.msk [tilespmem:v15+s17+$0x0], $0xffff;
	[tilespmem:s28+$0x40] =	vst v9  }
0xe6: {  	v9 =	vor.u32 $0x180, v3;
	v28 =	vld.idx.msk [tilespmem:v18+s17+$0x0], $0xffff;
	[tilespmem:s29+$0xFFFFFF40] =	vst v12  }
0xe7: {  	v12 =	vor.u32 $0x80, v25;
	v30 =	vld.idx.msk [tilespmem:v19+s17+$0x0], $0xffff;
	[tilespmem:s28+$0xE0] =	vst v8  }
0xe8: {  	v24 =	vld.idx.msk [tilespmem:v22+s17+$0x0], $0xffff;
	v8 =	vor.u32 $0x80, v16;
	[tilespmem:s28+$0x10] =	vst v17  }
0xe9: {  	[tilespmem:s29+$0xFFFFFF70] =	vst v13;
	v10 =	vld.idx.msk [tilespmem:v10+s17+$0x0], $0xffff;
	v13 =	vor.u32 $0x80, v26  }
0xea: {  	v31 =	vor.u32 $0x180, v2;
	v27 =	vld.idx.msk [tilespmem:v11+s17+$0x0], $0xffff;
	[tilespmem:s29+$0xFFFFFF10] =	vst v20  }
0xeb: {  	v32 =	vor.u32 $0x180, v4;
	v4 =	vor.u32 $0x180, v6;
	v29 =	vor.u32 $0x80, v1;
	[tilespmem:s29+$0xFFFFFF30] =	vst v21;
	v20 =	vld.idx.msk [tilespmem:v9+s17+$0x0], $0xffff  }
0xec: {  	v2 =	vor.u32 $0x180, v5;
	v6 =	vor.u32 $0x180, v25;
	v5 =	vor.u32 $0x180, v26;
	[tilespmem:s28+$0x30] =	vst v28;
	v33 =	vld.idx.msk [tilespmem:v12+s17+$0x0], $0xffff  }
0xed: {  	v3 =	vor.u32 $0x180, v7;
	v18 =	vor.u32 $0x80, v22;
	v7 =	vor.u32 $0x180, v16;
	v23 =	vld.idx.msk [tilespmem:v8+s17+$0x0], $0xffff;
	[tilespmem:s29+$0xFFFFFF50] =	vst v24  }
0xee: {  	v19 =	vor.u32 $0x80, v14;
	v17 =	vor.u32 $0x80, v15;
	v11 =	vor.u32 $0x100, v26;
	[tilespmem:s28+$0x50] =	vst v30;
	v24 =	vld.idx.msk [tilespmem:v13+s17+$0x0], $0xffff  }
0xef: {  	v9 =	vor.u32 $0x100, v15;
	v15 =	vor.u32 $0x180, v15;
	v26 =	vor.u32 $0x100, v0;
	v21 =	vld.idx.msk [tilespmem:v31+s17+$0x0], $0xffff;
	[tilespmem:s29+$0xFFFFFFE0] =	vst v27  }
0xf0: {  	v12 =	vor.u32 $0x100, v25;
	v8 =	vor.u32 $0x100, v22;
	[tilespmem:s28+$0xF0] =	vst v10;
	v13 =	vor.u32 $0x100, v16;
	v25 =	vld.idx.msk [tilespmem:v29+s17+$0x0], $0xffff  }
0xf1: {  	s30 =	simm.s32 $0x40;
	s0 =	simm.s32 $0xA0;
	v10 =	vor.u32 $0x100, v14;
	v16 =	vor.u32 $0x180, v14;
	v14 =	vor.u32 $0x180, v22;
	v22 =	vld.idx.msk [tilespmem:v32+s17+$0x0], $0xffff;
	[tilespmem:s29+$0xFFFFFF80] =	vst v33  }
.LBB2_9:
0xf2: {  	v27 =	vld [tilespmem:s0+$0x10];
	s30 =	sadd.s32 $0x40, s30;
	[tilespmem:s29+$0xFFFFFFA0] =	vst v23  }
0xf3: {  	v23 =	vld [tilespmem:s0+$0xFFFFFFF0];
	p0 =	slt.u32 s30, $0x7C0;
	[tilespmem:s29+$0xFFFFFFC0] =	vst v24  }
0xf4: {  	v24 =	vld [tilespmem:s0+$0x0];
	[tilespmem:s28+$0x80] =	vst v20  }
0xf5: {  	v20 =	vld [tilespmem:s0+$0xFFFFFFE0];
	[tilespmem:s29+$0xFFFFFFF0] =	vst v25  }
0xf6: {  	v25 =	vld.idx.msk [tilespmem:v26+s17+$0x0], $0xffff;
	[tilespmem:s28+$0xA0] =	vst v21  }
0xf7: {  	v21 =	vshll.u32 v27, $0x2;
	v19 =	vld.idx.msk [tilespmem:v19+s17+$0x0], $0xffff;
	[tilespmem:s28+$0xC0] =	vst v22  }
0xf8: {  	v26 =	vor.u32 $0x100, v1;
	v22 =	vand.u32 $0x7F, v27;
	v21 =	vand.u32 $0x3FE00, v21;
	v17 =	vld.idx.msk [tilespmem:v17+s17+$0x0], $0xffff  }
0xf9: {  	v28 =	vshll.u32 v23, $0x2;
	v29 =	vshll.u32 v24, $0x2;
	v21 =	vor.u32 v22, v21;
	v18 =	vld.idx.msk [tilespmem:v18+s17+$0x0], $0xffff  }
0xfa: {  	v28 =	vand.u32 $0x3FE00, v28;
	v22 =	vshll.u32 v20, $0x2;
	v29 =	vand.u32 $0x3FE00, v29;
	v30 =	vld.idx.msk [tilespmem:v4+s17+$0x0], $0xffff;
	v4 =	vmovc v16  }
0xfb: {  	v31 =	vand.u32 $0x7F, v23;
	v16 =	vand.u32 $0x7F, v20;
	v22 =	vand.u32 $0x3FE00, v22;
	v32 =	vld.idx.msk [tilespmem:v2+s17+$0x0], $0xffff;
	v2 =	vmovc v15  }
0xfc: {  	v15 =	vor.u32 v16, v22;
	v16 =	vor.u32 v31, v28;
	v22 =	vand.u32 $0x7F, v24;
	[tilespmem:s29+$0x60] =	vst v25;
	v25 =	vld.idx.msk [tilespmem:v3+s17+$0x0], $0xffff  }
0xfd: {  	v28 =	vshrl.u32 v20, $0x10;
	v20 =	vshrl.u32 v20, $0xE;
	v3 =	vmovc v14;
	v22 =	vor.u32 v22, v29;
	[tilespmem:s29+$0xFFFFFF90] =	vst v19;
	v19 =	vld.idx.msk [tilespmem:v26+s17+$0x0], $0xffff  }
0xfe: {  	v14 =	vshrl.u32 v23, $0x10;
	v26 =	vshrl.u32 v27, $0x10;
	v27 =	vshrl.u32 v27, $0xE;
	v29 =	vld.idx.msk [tilespmem:v21+s17+$0x0], $0xffff;
	[tilespmem:s29+$0xFFFFFFB0] =	vst v17  }
0xff: {  	v17 =	vand.u32 $0x7F, v26;
	v26 =	vand.u32 $0x3FE00, v27;
	v12 =	vld.idx.msk [tilespmem:v12+s17+$0x0], $0xffff;
	[tilespmem:s29+$0xFFFFFFD0] =	vst v18;
	v18 =	vor.u32 $0x180, v0;
	v0 =	vmovc v21  }
0x100: {  	v21 =	vshrl.u32 v23, $0xE;
	v23 =	vshrl.u32 v24, $0x10;
	v26 =	vor.u32 v17, v26;
	v13 =	vld.idx.msk [tilespmem:v13+s17+$0x0], $0xffff;
	[tilespmem:s28+$0x90] =	vst v30  }
0x101: {  	v20 =	vand.u32 $0x3FE00, v20;
	v17 =	vand.u32 $0x7F, v28;
	v24 =	vshrl.u32 v24, $0xE;
	v27 =	vld.idx.msk [tilespmem:v15+s17+$0x0], $0xffff;
	[tilespmem:s28+$0xB0] =	vst v32  }
0x102: {  	v14 =	vand.u32 $0x7F, v14;
	v21 =	vand.u32 $0x3FE00, v21;
	v23 =	vand.u32 $0x7F, v23;
	v28 =	vld.idx.msk [tilespmem:v16+s17+$0x0], $0xffff;
	[tilespmem:s28+$0xD0] =	vst v25;
	s28 =	smov.u32 s29  }
0x103: {  	v20 =	vor.u32 v17, v20;
	v17 =	vand.u32 $0x3FE00, v24;
	v14 =	vor.u32 v14, v21;
	s29 =	sadd.s32 $0x200, s29;
	v21 =	vld.idx.msk [tilespmem:v22+s17+$0x0], $0xffff;
	[tilespmem:s28+$0x70] =	vst v19  }
0x104: {  	v24 =	vor.u32 $0x80, v15;
	v23 =	vor.u32 v23, v17;
	v25 =	vor.u32 $0x80, v16;
	[tilespmem:s29+$0xFFFFFF60] =	vst v29;
	v29 =	vld.idx.msk [tilespmem:v18+s17+$0x0], $0xffff  }
0x105: {  	v30 =	vor.u32 $0x80, v22;
	v17 =	vor.u32 $0x80, v14;
	v19 =	vor.u32 $0x80, v20;
	v31 =	vld.idx.msk [tilespmem:v26+s17+$0x0], $0xffff;
	[tilespmem:s28+$0x0] =	vst v12  }
0x106: {  	v33 =	vor.u32 $0x180, v1;
	v1 =	vmovc v26;
	v18 =	vor.u32 $0x80, v23;
	v12 =	vor.u32 $0x100, v15;
	[tilespmem:s28+$0x20] =	vst v13;
	v32 =	vld.idx.msk [tilespmem:v11+s17+$0x0], $0xffff  }
0x107: {  	v26 =	vor.u32 $0x80, v0;
	v13 =	vor.u32 $0x100, v16;
	v11 =	vor.u32 $0x100, v22;
	[tilespmem:s29+$0xFFFFFF00] =	vst v27;
	v27 =	vld.idx.msk [tilespmem:v10+s17+$0x0], $0xffff  }
0x108: {  	v35 =	vor.u32 $0x100, v23;
	v10 =	vor.u32 $0x100, v20;
	v34 =	vld.idx.msk [tilespmem:v20+s17+$0x0], $0xffff;
	[tilespmem:s29+$0xFFFFFF20] =	vst v28;
	v28 =	vor.u32 $0x100, v14  }
0x109: {  	v36 =	vor.u32 $0x180, v15;
	v38 =	vor.u32 $0x180, v16;
	v39 =	vor.u32 $0x180, v22;
	v37 =	vld.idx.msk [tilespmem:v14+s17+$0x0], $0xffff;
	[tilespmem:s29+$0xFFFFFF40] =	vst v21  }
0x10a: {  	v15 =	vor.u32 $0x180, v14;
	v16 =	vor.u32 $0x180, v20;
	v14 =	vor.u32 $0x180, v23;
	v20 =	vld.idx.msk [tilespmem:v23+s17+$0x0], $0xffff;
	[tilespmem:s28+$0xE0] =	vst v29  }
0x10b: {  	[tilespmem:s29+$0xFFFFFF70] =	vst v31;
	v21 =	vld.idx.msk [tilespmem:v33+s17+$0x0], $0xffff  }
0x10c: {  	v22 =	vld.idx.msk [tilespmem:v26+s17+$0x0], $0xffff;
	[tilespmem:s28+$0x40] =	vst v32  }
0x10d: {  	[tilespmem:s28+$0x10] =	vst v27;
	v26 =	vld.idx.msk [tilespmem:v9+s17+$0x0], $0xffff;
	v9 =	vmov v28  }
0x10e: {  	v27 =	vor.u32 $0x80, v1;
	[tilespmem:s29+$0xFFFFFF10] =	vst v34;
	v28 =	vld.idx.msk [tilespmem:v8+s17+$0x0], $0xffff;
	v8 =	vmov v35  }
0x10f: {  	v29 =	vld.idx.msk [tilespmem:v24+s17+$0x0], $0xffff;
	[tilespmem:s29+$0xFFFFFF30] =	vst v37  }
0x110: {  	v23 =	vld.idx.msk [tilespmem:v25+s17+$0x0], $0xffff;
	[tilespmem:s29+$0xFFFFFF50] =	vst v20  }
.Ltmp6:
0x111: {  	v24 =	vld.idx.msk [tilespmem:v30+s17+$0x0], $0xffff;
	[tilespmem:s28+$0xF0] =	vst v21;
	(pc) =	sbr.rel @p0 .LBB2_9-.Ltmp6, $4  }
0x112: {  	[tilespmem:s29+$0xFFFFFFE0] =	vst v22;
	v20 =	vld.idx.msk [tilespmem:v6+s17+$0x0], $0xffff;
	v6 =	vmov v36  }
0x113: {  	v25 =	vld.idx.msk [tilespmem:v27+s17+$0x0], $0xffff;
	[tilespmem:s28+$0x30] =	vst v26  }
0x114: {  	v21 =	vld.idx.msk [tilespmem:v7+s17+$0x0], $0xffff;
	[tilespmem:s28+$0x50] =	vst v28;
	v7 =	vmov v38  }
0x115: {  	s0 =	sadd.s32 $0x40, s0;
	v26 =	vor.u32 $0x100, v0;
	[tilespmem:s29+$0xFFFFFF80] =	vst v29;
	v22 =	vld.idx.msk [tilespmem:v5+s17+$0x0], $0xffff;
	v5 =	vmov v39  }
0x116: {  	_ =	sdelay $0x3  }
0x117: {  	[tilespmem:s29+$0xFFFFFFA0] =	vst v23;
	v19 =	vld.idx.msk [tilespmem:v19+s17+$0x0], $0xffff  }
0x118: {  	[tilespmem:s29+$0xFFFFFFC0] =	vst v24;
	v17 =	vld.idx.msk [tilespmem:v17+s17+$0x0], $0xffff  }
0x119: {  	v18 =	vld.idx.msk [tilespmem:v18+s17+$0x0], $0xffff;
	_ =	sdelay $0x1  }
0x11a: {  	[tilespmem:s29+$0xFFFFFFF0] =	vst v25  }
0x11b: {  	v57 =	vld.idx.msk [tilespmem:v26+s17+$0x0], $0xffff;
	[tilespmem:s29+$0xFFFFFF90] =	vst v19  }
0x11c: {  	v58 =	vor.u32 $0x100, v1;
	[tilespmem:s29+$0xFFFFFFB0] =	vst v17;
	v12 =	vld.idx.msk [tilespmem:v12+s17+$0x0], $0xffff  }
0x11d: {  	[tilespmem:s29+$0xFFFFFFD0] =	vst v18;
	v13 =	vld.idx.msk [tilespmem:v13+s17+$0x0], $0xffff  }
0x11e: {  	v11 =	vld.idx.msk [tilespmem:v11+s17+$0x0], $0xffff;
	_ =	sdelay $0x1  }
0x11f: {  	[tilespmem:s29+$0x60] =	vst v57  }
0x120: {  	v59 =	vld.idx.msk [tilespmem:v58+s17+$0x0], $0xffff;
	[tilespmem:s29+$0x0] =	vst v12  }
0x121: {  	v0 =	vor.u32 $0x180, v0;
	[tilespmem:s29+$0x20] =	vst v13;
	v10 =	vld.idx.msk [tilespmem:v10+s17+$0x0], $0xffff  }
0x122: {  	[tilespmem:s29+$0x40] =	vst v11;
	v9 =	vld.idx.msk [tilespmem:v9+s17+$0x0], $0xffff  }
0x123: {  	[tilespmem:s28+$0x80] =	vst v20;
	v8 =	vld.idx.msk [tilespmem:v8+s17+$0x0], $0xffff  }
0x124: {  	[tilespmem:s28+$0xA0] =	vst v21  }
0x125: {  	v4 =	vld.idx.msk [tilespmem:v4+s17+$0x0], $0xffff;
	[tilespmem:s29+$0x70] =	vst v59  }
0x126: {  	v0 =	vld.idx.msk [tilespmem:v0+s17+$0x0], $0xffff;
	[tilespmem:s29+$0x10] =	vst v10  }
0x127: {  	v60 =	vor.u32 $0x180, v1;
	v6 =	vld.idx.msk [tilespmem:v6+s17+$0x0], $0xffff;
	[tilespmem:s29+$0x30] =	vst v9  }
0x128: {  	[tilespmem:s29+$0x50] =	vst v8;
	v7 =	vld.idx.msk [tilespmem:v7+s17+$0x0], $0xffff  }
0x129: {  	[tilespmem:s28+$0xC0] =	vst v22;
	v5 =	vld.idx.msk [tilespmem:v5+s17+$0x0], $0xffff  }
0x12a: {  	v2 =	vld.idx.msk [tilespmem:v2+s17+$0x0], $0xffff;
	[tilespmem:s28+$0x90] =	vst v4  }
0x12b: {  	v3 =	vld.idx.msk [tilespmem:v3+s17+$0x0], $0xffff;
	[tilespmem:s29+$0xE0] =	vst v0  }
0x12c: {  	v0 =	vld.idx.msk [tilespmem:v60+s17+$0x0], $0xffff;
	[tilespmem:s29+$0x80] =	vst v6  }
0x12d: {  	[tilespmem:s29+$0xA0] =	vst v7;
	v61 =	vld.idx.msk [tilespmem:v16+s17+$0x0], $0xffff  }
0x12e: {  	[tilespmem:s29+$0xC0] =	vst v5;
	v62 =	vld.idx.msk [tilespmem:v15+s17+$0x0], $0xffff  }
0x12f: {  	[tilespmem:s28+$0xB0] =	vst v2;
	v63 =	vld.idx.msk [tilespmem:v14+s17+$0x0], $0xffff  }
0x130: {  	p0 =	seq.s32 s25, $0x3F;
	[tilespmem:s28+$0xD0] =	vst v3  }
.Ltmp7:
0x131: {  	[tilespmem:s29+$0xF0] =	vst v0;
	(pc) =	sbr.rel @p0 .LBB2_12-.Ltmp7, $4  }
0x132: {  	[tilespmem:s29+$0x90] =	vst v61  }
0x133: {  	s0 =	sor.u32 s26, s5;
	[tilespmem:s29+$0xB0] =	vst v62  }
0x134: {  	s0 =	sadd.s32 s0, s10;
	[tilespmem:s29+$0xD0] =	vst v63  }
0x135: {  	[hbm4b:s0+s14] =	stream.strided.scatter [tilespmem:s22], [sflag:$0x4], $0x4000, s15, s14, $0x38;
	[tilespmem:$0x10800] =	vst v63  }
.Ltmp8:
0x136: {  	(pc) =	sbr.rel .LBB2_2-.Ltmp8, $3  }
0x137: {  	_ =	sdelay $0x1  }
0x138: {  	s0 =	sadd.s32 s26, s11;
	s25 =	sadd.s32 $0x1, s25  }
0x139: {  	[tilespmem:s17], [sflag:$0x2] =	stream.strided.gather [hbm4b:s0+s14], $0x4000, s15, s14, $0x38;
	[tilespmem:$0x10800] =	vst v63  }
.LBB2_13:
0x13a: {  	_ =	sfence.sel $0x180000  }
0x13b: {  	[bflag:$0x0] =	sbarrier.arrive $0xFFFF  }
0x13c: {  	_ =	strace $0x90000047  }
0x13d: {  	[bflag:$0x2] =	sbarrier.arrive $0xFFFF  }
0x13e: {  	p0 =	sne.s32 s1, $0x0;
	s0 =	rddreg [dreg:$0x3]  }
0x13f: {  	s0 =	sadd.s32 @!p0 $0x100000, s0  }
0x140: {  	[sflag:s0] =	ssyncadd.tile.s32 @!p0 $0x1;
	_ =	shalt  }
.Lfunc_end2:
_tile_overlayer_lowered:
.L_overlay_start_2:
0x141: {  	(tag) =	ssettag $0x2  }
0x142: {  	s0 =	rddreg [dreg:$0x0];
	s2 =	stileid.u32  }
0x143: {  	s1 =	rddreg [dreg:$0x1];
	p0 =	sne.s32 s2, $0x0  }
0x144: {  	s3 =	rddreg [dreg:$0x2];
	[bflag:$0x3] =	sbarrier.arrive $0xFFFF;
	s2 =	simm.s32 @!p0 $0x1C05  }
0x145: {  	[timem:s3], [sflag:s2] =	dma.local @!p0 [hbm:s0], s1  }
0x146: {  	s0 =	simm.s32 @!p0 $0x5  }
0x147: {  	_ =	swait.ge @!p0 [sflag:s0], s1  }
0x148: {  	s1 =	ssub.s32 @!p0 $0x0, s1;
	[sflag:s0] =	ssyncset.done @!p0 $0x0  }
0x149: {  	[sflag:s0] =	ssyncadd.s32 @!p0 s1  }
0x14a: {  	[bflag:$0x3] =	sbarrier.arrive $0xFFFF  }
0x14b: {  	_ =	shalt  }

</sc_bundles>
